<compile_context>
chip_gen: v7x
topology: tpu7x:2x2x1
jax: 0.10.2.dev20260603
libtpu: 0.0.44.dev20260713+nightly
codegen_flags: <defaults>
</compile_context>

<pallas_src>
import jax
import jax.numpy as jnp
from jax import lax
from jax.experimental import pallas as pl
from jax.experimental.pallas import tpu as pltpu
from jax.experimental.pallas import tpu_sc as plsc

_N = 10000
_E = 320000
_D = 128

_NC = 2
_NS = 16
_NW = _NC * _NS
_CHUNK = 128
_C0 = 80
_C1 = 80
_NCH = _NS * (_C0 + _C1)
_CPW = _NCH // _NW
_E_PAD = _NCH * _CHUNK
_NP = 10240
_RPT = _NP // _NS
_CW = 128

_mesh = plsc.VectorSubcoreMesh(
    core_axis_name="c", subcore_axis_name="s", num_cores=_NC, num_subcores=_NS
)


def _cnt_body(dst_hbm, zcnt_hbm, ones_hbm,
              cnt_out, dst_v, ones_v, cnt_sh, sem):
    c = lax.axis_index("c")
    s = lax.axis_index("s")
    wid = c * _NS + s
    r0 = s * _RPT
    pltpu.sync_copy(zcnt_hbm, cnt_sh.at[pl.ds(r0, _RPT)])
    pltpu.sync_copy(ones_hbm, ones_v)
    pltpu.sync_copy(dst_hbm.at[wid], dst_v)
    plsc.subcore_barrier()

    def body(j, carry):
        pltpu.sync_copy(ones_v, cnt_sh.at[dst_v.at[j]], add=True)
        return carry

    lax.fori_loop(0, _CPW, body, 0)
    plsc.subcore_barrier()
    pltpu.sync_copy(cnt_sh.at[pl.ds(r0, _RPT)], cnt_out.at[c, pl.ds(r0, _RPT)])


def _agg_body(x_hbm, src_hbm, dst_hbm, zrow_hbm,
              sum_out, src_v, dst_v, rows_v, acc_sh, sem):
    c = lax.axis_index("c")
    s = lax.axis_index("s")
    r0 = s * _RPT
    nch = jnp.where(c == 0, _C0, _C1)
    base = jnp.where(c == 0, s * _C0, _NS * _C0 + s * _C1)
    sbase = pl.multiple_of(jnp.minimum(base, _NCH - _C0), 8)
    off = base - sbase
    with jax.named_scope("agg_init"):
        pltpu.sync_copy(zrow_hbm, acc_sh.at[pl.ds(r0, _RPT)])
        pltpu.sync_copy(src_hbm.at[pl.ds(sbase, _C0)], src_v)
        pltpu.sync_copy(dst_hbm.at[pl.ds(sbase, _C0)], dst_v)
        plsc.subcore_barrier()

    def body(j, carry):
        pltpu.async_copy(x_hbm.at[src_v.at[off + j]], rows_v, sem).wait()
        pltpu.sync_copy(rows_v, acc_sh.at[dst_v.at[off + j]], add=True)
        return carry

    with jax.named_scope("agg_loop"):
        lax.fori_loop(0, nch, body, 0)
    with jax.named_scope("agg_bar"):
        plsc.subcore_barrier()
    with jax.named_scope("agg_out"):
        pltpu.sync_copy(acc_sh.at[pl.ds(r0, _RPT)], sum_out.at[c, pl.ds(r0, _RPT)])


_agg = pl.kernel(
    _agg_body,
    out_type=jax.ShapeDtypeStruct((_NC, _NP, _D), jnp.float32),
    mesh=_mesh,
    scratch_types=[
        pltpu.VMEM((_C0, _CHUNK), jnp.int32),
        pltpu.VMEM((_C0, _CHUNK), jnp.int32),
        pltpu.VMEM((_CHUNK, _D), jnp.float32),
        pltpu.VMEM_SHARED((_NP, _D), jnp.float32),
        pltpu.SemaphoreType.DMA,
    ],
    name="sage_agg",
)

_cnt = pl.kernel(
    _cnt_body,
    out_type=jax.ShapeDtypeStruct((_NC, _NP, _CW), jnp.float32),
    mesh=_mesh,
    scratch_types=[
        pltpu.VMEM((_CPW, _CHUNK), jnp.int32),
        pltpu.VMEM((_CHUNK, _CW), jnp.float32),
        pltpu.VMEM_SHARED((_NP, _CW), jnp.float32),
        pltpu.SemaphoreType.DMA,
    ],
    name="sage_cnt",
)

_BLK = 512
_GRID = _NP // _BLK


def _sage_tc1_body(p_ref, c_ref, x_ref, wl_ref, bl_ref, wr_ref, o_ref):
    ssum = p_ref[0] + p_ref[1]
    cnt = c_ref[0, :, :1] + c_ref[1, :, :1]
    mean = ssum / jnp.maximum(cnt, 1.0)
    out = (
        jnp.dot(mean, wl_ref[...], preferred_element_type=jnp.float32)
        + bl_ref[...]
        + jnp.dot(x_ref[...], wr_ref[...], preferred_element_type=jnp.float32)
    )
    nrm = jnp.sqrt(jnp.sum(out * out, axis=-1, keepdims=True))
    out = out / jnp.maximum(nrm, 1e-12)
    o_ref[...] = jnp.maximum(out, 0.0)


def _sage_tc2_body(p_ref, c_ref, x_ref, wl_ref, bl_ref, wr_ref, wo_ref, bo_ref, o_ref):
    ssum = p_ref[0] + p_ref[1]
    cnt = c_ref[0, :, :1] + c_ref[1, :, :1]
    mean = ssum / jnp.maximum(cnt, 1.0)
    out = (
        jnp.dot(mean, wl_ref[...], preferred_element_type=jnp.float32)
        + bl_ref[...]
        + jnp.dot(x_ref[...], wr_ref[...], preferred_element_type=jnp.float32)
    )
    nrm = jnp.sqrt(jnp.sum(out * out, axis=-1, keepdims=True))
    z = jnp.maximum(out / jnp.maximum(nrm, 1e-12), 0.0)
    o_ref[...] = jnp.dot(z, wo_ref[...], preferred_element_type=jnp.float32) + bo_ref[...]


_w_spec = pl.BlockSpec((_D, _D), lambda i: (0, 0))
_b_spec = pl.BlockSpec((1, _D), lambda i: (0, 0))
_row_spec = pl.BlockSpec((_BLK, _D), lambda i: (i, 0))
_p_spec = pl.BlockSpec((_NC, _BLK, _D), lambda i: (0, i, 0))
_c_spec = pl.BlockSpec((_NC, _BLK, 16), lambda i: (0, i, 0))

_sage_tc1 = pl.pallas_call(
    _sage_tc1_body,
    grid=(_GRID,),
    in_specs=[_p_spec, _c_spec, _row_spec, _w_spec, _b_spec, _w_spec],
    out_specs=_row_spec,
    out_shape=jax.ShapeDtypeStruct((_NP, _D), jnp.float32),
)

_sage_tc2 = pl.pallas_call(
    _sage_tc2_body,
    grid=(_GRID,),
    in_specs=[_p_spec, _c_spec, _row_spec, _w_spec, _b_spec, _w_spec, _w_spec, _b_spec],
    out_specs=_row_spec,
    out_shape=jax.ShapeDtypeStruct((_NP, _D), jnp.float32),
)


@jax.jit
def kernel(x, edge_index, W1l, b1l, W1r, W2l, b2l, W2r, Wlin, blin):
    src = edge_index[0].astype(jnp.int32)
    dst = edge_index[1].astype(jnp.int32)
    pad = _E_PAD - _E
    pad_rng = _N + (jnp.arange(pad, dtype=jnp.int32) % (_NP - _N))
    src_p = jnp.concatenate([src, pad_rng]).reshape(_NCH, _CHUNK)
    dst_p = jnp.concatenate([dst, pad_rng]).reshape(_NCH, _CHUNK)
    dst_cnt = dst_p.reshape(_NW, _CPW, _CHUNK)
    x_p = jnp.zeros((_NP, _D), jnp.float32).at[:_N].set(x)
    zrow = jnp.zeros((_RPT, _D), jnp.float32)
    zcnt = jnp.zeros((_RPT, _CW), jnp.float32)
    ones = jnp.ones((_CHUNK, _CW), jnp.float32)

    sums1 = _agg(x_p, src_p, dst_p, zrow)
    cnts = _cnt(dst_cnt, zcnt, ones)[:, :, :16]
    h1 = _sage_tc1(sums1, cnts, x_p, W1l.T, b1l.reshape(1, _D), W1r.T)
    sums2 = _agg(h1, src_p, dst_p, zrow)
    out = _sage_tc2(
        sums2, cnts, h1, W2l.T, b2l.reshape(1, _D), W2r.T, Wlin.T, blin.reshape(1, _D)
    )
    return out[:_N]

# --- scband reference (transcript-rebuilt; emitter-appended) ---
"""Pipeline reference for scband-gnn-49134425866246 (READ-ONLY COPY).

The authoritative reference and input builder live on the scoring server;
editing this copy changes nothing except your own understanding.
"""

import jax, jax.numpy as jnp
import numpy as np

N = 10000
E = 320000
D = 128


def _uniform(key, shape, fan_in):
    s = 1.0 / np.sqrt(fan_in)
    return jax.random.uniform(key, shape, minval=-s, maxval=s, dtype=jnp.float32)


def setup_inputs(seed: int = 0):
    key = jax.random.key(seed)
    ks = jax.random.split(key, 12)
    x = jax.random.normal(ks[0], (N, D), dtype=jnp.float32)
    edge_index = jax.random.randint(ks[1], (2, E), 0, N)
    return {
        'x': x,
        'edge_index': edge_index,
        'W1l': _uniform(ks[2], (D, D), D),
        'b1l': jnp.zeros((D,), jnp.float32),
        'W1r': _uniform(ks[3], (D, D), D),
        'W2l': _uniform(ks[4], (D, D), D),
        'b2l': jnp.zeros((D,), jnp.float32),
        'W2r': _uniform(ks[5], (D, D), D),
        'Wlin': _uniform(ks[6], (D, D), D),
        'blin': _uniform(ks[7], (D,), D),
    }


def _sage_conv(x, edge_index, Wl, bl, Wr):
    # SAGEConv(aggr='mean', normalize=True, root_weight=True)
    src = edge_index[0]
    dst = edge_index[1]
    msgs = jnp.take(x, src, axis=0)                      # gather x_j
    summed = jax.ops.segment_sum(msgs, dst, num_segments=N)
    cnt = jax.ops.segment_sum(jnp.ones((msgs.shape[0],), msgs.dtype), dst, num_segments=N)
    mean = summed / jnp.maximum(cnt, 1.0)[:, None]       # mean aggregation
    out = mean @ Wl.T + bl + x @ Wr.T                    # lin_l(agg) + lin_r(x)
    nrm = jnp.linalg.norm(out, axis=-1, keepdims=True)   # L2 normalize (normalize=True)
    return out / jnp.maximum(nrm, 1e-12)


def reference(x, edge_index, W1l, b1l, W1r, W2l, b2l, W2r, Wlin, blin):
    z = _sage_conv(x, edge_index, W1l, b1l, W1r)
    z = jax.nn.relu(z)
    # dropout p=0.0 -> identity
    z = _sage_conv(z, edge_index, W2l, b2l, W2r)
    z = jax.nn.relu(z)
    return z @ Wlin.T + blin

if __name__ == "__main__":
    import jax
    _d = setup_inputs()
    print(jax.jit(kernel)(*tuple(_d.values())))

</pallas_src>

<mosaic_0001>
#map = affine_map<(d0, d1) -> (0, 0)>
#map1 = affine_map<(d0, d1) -> (0, 0, 0)>
module attributes {stable_mosaic.version = 14 : i64} {
  func.func @sage_agg(%arg0: i32, %arg1: i32, %arg2: memref<10240x128xf32, #tpu.memory_space<hbm>>, %arg3: memref<2560x128xi32, #tpu.memory_space<hbm>>, %arg4: memref<2560x128xi32, #tpu.memory_space<hbm>>, %arg5: memref<640x128xf32, #tpu.memory_space<hbm>>, %arg6: memref<2x10240x128xf32, #tpu.memory_space<hbm>>, %arg7: memref<80x128xi32, #tpu.memory_space<vmem>>, %arg8: memref<80x128xi32, #tpu.memory_space<vmem>>, %arg9: memref<128x128xf32, #tpu.memory_space<vmem>>, %arg10: memref<10240x128xf32, #tpu.memory_space<vmem_shared>>, %arg11: memref<!tpu.dma_semaphore, #tpu.memory_space<semaphore_mem>>) attributes {dimension_semantics = [#tpu.dimension_semantics<core_parallel>, #tpu.dimension_semantics<subcore_parallel>], iteration_bounds = array<i64: 2, 16>, scalar_prefetch = 0 : i64, scratch_operands = 5 : i64, tpu.core_type = #tpu.core_type<sc_vector_subcore>, window_params = [{transform_indices = #map}, {transform_indices = #map}, {transform_indices = #map}, {transform_indices = #map}, {transform_indices = #map1}]} {
    %mul3A = arith.constant 640 : i32
    %mul3A_0 = arith.muli %arg1, %mul3A : i32
    %eq3A = arith.constant 0 : i32
    %eq3A_1 = arith.cmpi eq, %arg0, %eq3A : i32
    %jit3A = arith.constant 80 : i32
    %jit3A_2 = arith.constant 80 : i32
    %select_n3A = arith.select %eq3A_1, %jit3A, %jit3A_2 : i32
    %eq3A_3 = arith.constant 0 : i32
    %eq3A_4 = arith.cmpi eq, %arg0, %eq3A_3 : i32
    %mul3A_5 = arith.constant 80 : i32
    %mul3A_6 = arith.muli %arg1, %mul3A_5 : i32
    %mul3A_7 = arith.constant 80 : i32
    %mul3A_8 = arith.muli %arg1, %mul3A_7 : i32
    %add3A = arith.constant 1280 : i32
    %add3A_9 = arith.addi %add3A, %mul3A_8 : i32
    %select_n3A_10 = arith.select %eq3A_4, %mul3A_6, %add3A_9 : i32
    %min3A = arith.constant 2480 : i32
    %min3A_11 = arith.minsi %select_n3A_10, %min3A : i32
    %multiple_of3A = tpu.assume_multiple %min3A_11, 8 : i32
    %sub3A = arith.subi %select_n3A_10, %multiple_of3A : i32
    "tpu.trace_start"() <{level = 10 : i32, message = "agg_init"}> : () -> ()
    "tpu.region"() ({
      %run_scoped3A = tpu.sem_alloc : memref<!tpu.dma_semaphore, #tpu.memory_space<semaphore_mem>>
      %dma_start3A = arith.constant 0 : i32
      %dma_start3A_22 = tpu.memref_slice %arg10[%mul3A_0, %dma_start3A] : memref<10240x128xf32, #tpu.memory_space<vmem_shared>> -> memref<640x128xf32, #tpu.memory_space<vmem_shared>>
      tpu.enqueue_dma source(%arg5 : memref<640x128xf32, #tpu.memory_space<hbm>>) target(%dma_start3A_22 : memref<640x128xf32, #tpu.memory_space<vmem_shared>>) target_semaphore(%run_scoped3A : memref<!tpu.dma_semaphore, #tpu.memory_space<semaphore_mem>>)
      %dma_wait3A = arith.constant 0 : i32
      %dma_wait3A_23 = tpu.memref_slice %arg10[%mul3A_0, %dma_wait3A] : memref<10240x128xf32, #tpu.memory_space<vmem_shared>> -> memref<640x128xf32, #tpu.memory_space<vmem_shared>>
      tpu.wait_dma2 semaphore(%run_scoped3A : memref<!tpu.dma_semaphore, #tpu.memory_space<semaphore_mem>>) src(%arg5 : memref<640x128xf32, #tpu.memory_space<hbm>>) dst(%dma_wait3A_23 : memref<640x128xf32, #tpu.memory_space<vmem_shared>>)
      tpu.yield
    }) : () -> ()
    "tpu.region"() ({
      %run_scoped3A = tpu.sem_alloc : memref<!tpu.dma_semaphore, #tpu.memory_space<semaphore_mem>>
      %dma_start3A = arith.constant 0 : i32
      %dma_start3A_22 = tpu.memref_slice %arg3[%multiple_of3A, %dma_start3A] : memref<2560x128xi32, #tpu.memory_space<hbm>> -> memref<80x128xi32, #tpu.memory_space<hbm>>
      %dma_start3A_23 = arith.constant 0 : i32
      %dma_start3A_24 = tpu.memref_slice %arg3[%multiple_of3A, %dma_start3A_23] : memref<2560x128xi32, #tpu.memory_space<hbm>> -> memref<80x128xi32, #tpu.memory_space<hbm>>
      tpu.enqueue_dma source(%dma_start3A_24 : memref<80x128xi32, #tpu.memory_space<hbm>>) target(%arg7 : memref<80x128xi32, #tpu.memory_space<vmem>>) target_semaphore(%run_scoped3A : memref<!tpu.dma_semaphore, #tpu.memory_space<semaphore_mem>>)
      %dma_wait3A = arith.constant 0 : i32
      %dma_wait3A_25 = tpu.memref_slice %arg3[%multiple_of3A, %dma_wait3A] : memref<2560x128xi32, #tpu.memory_space<hbm>> -> memref<80x128xi32, #tpu.memory_space<hbm>>
      %dma_wait3A_26 = arith.constant 0 : i32
      %dma_wait3A_27 = tpu.memref_slice %arg3[%multiple_of3A, %dma_wait3A_26] : memref<2560x128xi32, #tpu.memory_space<hbm>> -> memref<80x128xi32, #tpu.memory_space<hbm>>
      tpu.wait_dma2 semaphore(%run_scoped3A : memref<!tpu.dma_semaphore, #tpu.memory_space<semaphore_mem>>) src(%dma_wait3A_27 : memref<80x128xi32, #tpu.memory_space<hbm>>) dst(%arg7 : memref<80x128xi32, #tpu.memory_space<vmem>>)
      tpu.yield
    }) : () -> ()
    "tpu.region"() ({
      %run_scoped3A = tpu.sem_alloc : memref<!tpu.dma_semaphore, #tpu.memory_space<semaphore_mem>>
      %dma_start3A = arith.constant 0 : i32
      %dma_start3A_22 = tpu.memref_slice %arg4[%multiple_of3A, %dma_start3A] : memref<2560x128xi32, #tpu.memory_space<hbm>> -> memref<80x128xi32, #tpu.memory_space<hbm>>
      %dma_start3A_23 = arith.constant 0 : i32
      %dma_start3A_24 = tpu.memref_slice %arg4[%multiple_of3A, %dma_start3A_23] : memref<2560x128xi32, #tpu.memory_space<hbm>> -> memref<80x128xi32, #tpu.memory_space<hbm>>
      tpu.enqueue_dma source(%dma_start3A_24 : memref<80x128xi32, #tpu.memory_space<hbm>>) target(%arg8 : memref<80x128xi32, #tpu.memory_space<vmem>>) target_semaphore(%run_scoped3A : memref<!tpu.dma_semaphore, #tpu.memory_space<semaphore_mem>>)
      %dma_wait3A = arith.constant 0 : i32
      %dma_wait3A_25 = tpu.memref_slice %arg4[%multiple_of3A, %dma_wait3A] : memref<2560x128xi32, #tpu.memory_space<hbm>> -> memref<80x128xi32, #tpu.memory_space<hbm>>
      %dma_wait3A_26 = arith.constant 0 : i32
      %dma_wait3A_27 = tpu.memref_slice %arg4[%multiple_of3A, %dma_wait3A_26] : memref<2560x128xi32, #tpu.memory_space<hbm>> -> memref<80x128xi32, #tpu.memory_space<hbm>>
      tpu.wait_dma2 semaphore(%run_scoped3A : memref<!tpu.dma_semaphore, #tpu.memory_space<semaphore_mem>>) src(%dma_wait3A_27 : memref<80x128xi32, #tpu.memory_space<hbm>>) dst(%arg8 : memref<80x128xi32, #tpu.memory_space<vmem>>)
      tpu.yield
    }) : () -> ()
    %barrier3A = arith.constant 0 : index
    tpu.barrier barrier_id(%barrier3A)
    %while3A = arith.constant 0 : i32
    %while3A_12 = arith.constant 0 : i32
    "tpu.trace_stop"() : () -> ()
    "tpu.trace_start"() <{level = 10 : i32, message = "agg_loop"}> : () -> ()
    %while3A_13 = arith.subi %select_n3A, %while3A_12 : i32
    %while3A_14 = arith.addi %while3A_12, %while3A_13 : i32
    %while3A_15 = arith.constant 1 : i32
    %while3A_16 = arith.divsi %while3A_13, %while3A_15 : i32
    %while3A_17 = arith.muli %while3A_16, %while3A_15 : i32
    %while3A_18 = arith.addi %while3A_12, %while3A_17 : i32
    %while3A_19 = arith.constant 1 : i32
    scf.for %while3A_22 = %while3A_12 to %while3A_18 step %while3A_19  : i32 {
      %add3A_23 = arith.addi %sub3A, %while3A_22 : i32
      %dma_start3A = arith.constant 0 : i32
      %dma_start3A_24 = tpu.memref_slice %arg7[%add3A_23, %dma_start3A] : memref<80x128xi32, #tpu.memory_space<vmem>> -> memref<1x128xi32, #tpu.memory_space<vmem>>
      %dma_start3A_25 = tpu.memref_squeeze %dma_start3A_24 : memref<1x128xi32, #tpu.memory_space<vmem>> -> memref<128xi32, #tpu.memory_space<vmem>>
      %dma_start3A_26 = arith.constant 0 : i32
      %dma_start3A_27 = arith.constant 0 : i32
      %dma_start3A_28 = tpu.memref_slice %arg2[%dma_start3A_26, %dma_start3A_27] : memref<10240x128xf32, #tpu.memory_space<hbm>> -> memref<10240x128xf32, #tpu.memory_space<hbm>>
      tpu.enqueue_indirect_dma source(%dma_start3A_28 : memref<10240x128xf32, #tpu.memory_space<hbm>>) target(%arg9 : memref<128x128xf32, #tpu.memory_space<vmem>>) offsets(%dma_start3A_25 : memref<128xi32, #tpu.memory_space<vmem>>) semaphore(%arg11 : memref<!tpu.dma_semaphore, #tpu.memory_space<semaphore_mem>>)
      %dma_wait3A = arith.constant 0 : i32
      %dma_wait3A_29 = tpu.memref_slice %arg7[%add3A_23, %dma_wait3A] : memref<80x128xi32, #tpu.memory_space<vmem>> -> memref<1x128xi32, #tpu.memory_space<vmem>>
      %dma_wait3A_30 = tpu.memref_squeeze %dma_wait3A_29 : memref<1x128xi32, #tpu.memory_space<vmem>> -> memref<128xi32, #tpu.memory_space<vmem>>
      %dma_wait3A_31 = arith.constant 0 : i32
      %dma_wait3A_32 = arith.constant 0 : i32
      %dma_wait3A_33 = tpu.memref_slice %arg2[%dma_wait3A_31, %dma_wait3A_32] : memref<10240x128xf32, #tpu.memory_space<hbm>> -> memref<10240x128xf32, #tpu.memory_space<hbm>>
      tpu.wait_indirect_dma semaphore(%arg11 : memref<!tpu.dma_semaphore, #tpu.memory_space<semaphore_mem>>) src(%dma_wait3A_33 : memref<10240x128xf32, #tpu.memory_space<hbm>>) dst(%arg9 : memref<128x128xf32, #tpu.memory_space<vmem>>)
      %add3A_34 = arith.addi %sub3A, %while3A_22 : i32
      "tpu.region"() ({
        %run_scoped3A = tpu.sem_alloc : memref<!tpu.dma_semaphore, #tpu.memory_space<semaphore_mem>>
        %dma_start3A_35 = arith.constant 0 : i32
        %dma_start3A_36 = tpu.memref_slice %arg8[%add3A_34, %dma_start3A_35] : memref<80x128xi32, #tpu.memory_space<vmem>> -> memref<1x128xi32, #tpu.memory_space<vmem>>
        %dma_start3A_37 = tpu.memref_squeeze %dma_start3A_36 : memref<1x128xi32, #tpu.memory_space<vmem>> -> memref<128xi32, #tpu.memory_space<vmem>>
        %dma_start3A_38 = arith.constant 0 : i32
        %dma_start3A_39 = arith.constant 0 : i32
        %dma_start3A_40 = tpu.memref_slice %arg10[%dma_start3A_38, %dma_start3A_39] : memref<10240x128xf32, #tpu.memory_space<vmem_shared>> -> memref<10240x128xf32, #tpu.memory_space<vmem_shared>>
        tpu.enqueue_indirect_dma source(%arg9 : memref<128x128xf32, #tpu.memory_space<vmem>>) target(%dma_start3A_40 : memref<10240x128xf32, #tpu.memory_space<vmem_shared>>) offsets(%dma_start3A_37 : memref<128xi32, #tpu.memory_space<vmem>>) semaphore(%run_scoped3A : memref<!tpu.dma_semaphore, #tpu.memory_space<semaphore_mem>>) {add = true}
        %dma_wait3A_41 = arith.constant 0 : i32
        %dma_wait3A_42 = tpu.memref_slice %arg8[%add3A_34, %dma_wait3A_41] : memref<80x128xi32, #tpu.memory_space<vmem>> -> memref<1x128xi32, #tpu.memory_space<vmem>>
        %dma_wait3A_43 = tpu.memref_squeeze %dma_wait3A_42 : memref<1x128xi32, #tpu.memory_space<vmem>> -> memref<128xi32, #tpu.memory_space<vmem>>
        %dma_wait3A_44 = arith.constant 0 : i32
        %dma_wait3A_45 = arith.constant 0 : i32
        %dma_wait3A_46 = tpu.memref_slice %arg10[%dma_wait3A_44, %dma_wait3A_45] : memref<10240x128xf32, #tpu.memory_space<vmem_shared>> -> memref<10240x128xf32, #tpu.memory_space<vmem_shared>>
        tpu.wait_indirect_dma semaphore(%run_scoped3A : memref<!tpu.dma_semaphore, #tpu.memory_space<semaphore_mem>>) src(%arg9 : memref<128x128xf32, #tpu.memory_space<vmem>>) dst(%dma_wait3A_46 : memref<10240x128xf32, #tpu.memory_space<vmem_shared>>)
        tpu.yield
      }) : () -> ()
    }
    %while3A_20 = arith.constant 1 : i32
    scf.for %while3A_22 = %while3A_18 to %while3A_14 step %while3A_20  : i32 {
      %add3A_23 = arith.addi %sub3A, %while3A_22 : i32
      %dma_start3A = arith.constant 0 : i32
      %dma_start3A_24 = tpu.memref_slice %arg7[%add3A_23, %dma_start3A] : memref<80x128xi32, #tpu.memory_space<vmem>> -> memref<1x128xi32, #tpu.memory_space<vmem>>
      %dma_start3A_25 = tpu.memref_squeeze %dma_start3A_24 : memref<1x128xi32, #tpu.memory_space<vmem>> -> memref<128xi32, #tpu.memory_space<vmem>>
      %dma_start3A_26 = arith.constant 0 : i32
      %dma_start3A_27 = arith.constant 0 : i32
      %dma_start3A_28 = tpu.memref_slice %arg2[%dma_start3A_26, %dma_start3A_27] : memref<10240x128xf32, #tpu.memory_space<hbm>> -> memref<10240x128xf32, #tpu.memory_space<hbm>>
      tpu.enqueue_indirect_dma source(%dma_start3A_28 : memref<10240x128xf32, #tpu.memory_space<hbm>>) target(%arg9 : memref<128x128xf32, #tpu.memory_space<vmem>>) offsets(%dma_start3A_25 : memref<128xi32, #tpu.memory_space<vmem>>) semaphore(%arg11 : memref<!tpu.dma_semaphore, #tpu.memory_space<semaphore_mem>>)
      %dma_wait3A = arith.constant 0 : i32
      %dma_wait3A_29 = tpu.memref_slice %arg7[%add3A_23, %dma_wait3A] : memref<80x128xi32, #tpu.memory_space<vmem>> -> memref<1x128xi32, #tpu.memory_space<vmem>>
      %dma_wait3A_30 = tpu.memref_squeeze %dma_wait3A_29 : memref<1x128xi32, #tpu.memory_space<vmem>> -> memref<128xi32, #tpu.memory_space<vmem>>
      %dma_wait3A_31 = arith.constant 0 : i32
      %dma_wait3A_32 = arith.constant 0 : i32
      %dma_wait3A_33 = tpu.memref_slice %arg2[%dma_wait3A_31, %dma_wait3A_32] : memref<10240x128xf32, #tpu.memory_space<hbm>> -> memref<10240x128xf32, #tpu.memory_space<hbm>>
      tpu.wait_indirect_dma semaphore(%arg11 : memref<!tpu.dma_semaphore, #tpu.memory_space<semaphore_mem>>) src(%dma_wait3A_33 : memref<10240x128xf32, #tpu.memory_space<hbm>>) dst(%arg9 : memref<128x128xf32, #tpu.memory_space<vmem>>)
      %add3A_34 = arith.addi %sub3A, %while3A_22 : i32
      "tpu.region"() ({
        %run_scoped3A = tpu.sem_alloc : memref<!tpu.dma_semaphore, #tpu.memory_space<semaphore_mem>>
        %dma_start3A_35 = arith.constant 0 : i32
        %dma_start3A_36 = tpu.memref_slice %arg8[%add3A_34, %dma_start3A_35] : memref<80x128xi32, #tpu.memory_space<vmem>> -> memref<1x128xi32, #tpu.memory_space<vmem>>
        %dma_start3A_37 = tpu.memref_squeeze %dma_start3A_36 : memref<1x128xi32, #tpu.memory_space<vmem>> -> memref<128xi32, #tpu.memory_space<vmem>>
        %dma_start3A_38 = arith.constant 0 : i32
        %dma_start3A_39 = arith.constant 0 : i32
        %dma_start3A_40 = tpu.memref_slice %arg10[%dma_start3A_38, %dma_start3A_39] : memref<10240x128xf32, #tpu.memory_space<vmem_shared>> -> memref<10240x128xf32, #tpu.memory_space<vmem_shared>>
        tpu.enqueue_indirect_dma source(%arg9 : memref<128x128xf32, #tpu.memory_space<vmem>>) target(%dma_start3A_40 : memref<10240x128xf32, #tpu.memory_space<vmem_shared>>) offsets(%dma_start3A_37 : memref<128xi32, #tpu.memory_space<vmem>>) semaphore(%run_scoped3A : memref<!tpu.dma_semaphore, #tpu.memory_space<semaphore_mem>>) {add = true}
        %dma_wait3A_41 = arith.constant 0 : i32
        %dma_wait3A_42 = tpu.memref_slice %arg8[%add3A_34, %dma_wait3A_41] : memref<80x128xi32, #tpu.memory_space<vmem>> -> memref<1x128xi32, #tpu.memory_space<vmem>>
        %dma_wait3A_43 = tpu.memref_squeeze %dma_wait3A_42 : memref<1x128xi32, #tpu.memory_space<vmem>> -> memref<128xi32, #tpu.memory_space<vmem>>
        %dma_wait3A_44 = arith.constant 0 : i32
        %dma_wait3A_45 = arith.constant 0 : i32
        %dma_wait3A_46 = tpu.memref_slice %arg10[%dma_wait3A_44, %dma_wait3A_45] : memref<10240x128xf32, #tpu.memory_space<vmem_shared>> -> memref<10240x128xf32, #tpu.memory_space<vmem_shared>>
        tpu.wait_indirect_dma semaphore(%run_scoped3A : memref<!tpu.dma_semaphore, #tpu.memory_space<semaphore_mem>>) src(%arg9 : memref<128x128xf32, #tpu.memory_space<vmem>>) dst(%dma_wait3A_46 : memref<10240x128xf32, #tpu.memory_space<vmem_shared>>)
        tpu.yield
      }) : () -> ()
    }
    "tpu.trace_stop"() : () -> ()
    "tpu.trace_start"() <{level = 10 : i32, message = "agg_bar"}> : () -> ()
    %barrier3A_21 = arith.constant 0 : index
    tpu.barrier barrier_id(%barrier3A_21)
    "tpu.trace_stop"() : () -> ()
    "tpu.trace_start"() <{level = 10 : i32, message = "agg_out"}> : () -> ()
    "tpu.region"() ({
      %run_scoped3A = tpu.sem_alloc : memref<!tpu.dma_semaphore, #tpu.memory_space<semaphore_mem>>
      %dma_start3A = arith.constant 0 : i32
      %dma_start3A_22 = tpu.memref_slice %arg6[%arg0, %mul3A_0, %dma_start3A] : memref<2x10240x128xf32, #tpu.memory_space<hbm>> -> memref<1x640x128xf32, #tpu.memory_space<hbm>>
      %dma_start3A_23 = tpu.memref_squeeze %dma_start3A_22 : memref<1x640x128xf32, #tpu.memory_space<hbm>> -> memref<640x128xf32, #tpu.memory_space<hbm>>
      %dma_start3A_24 = arith.constant 0 : i32
      %dma_start3A_25 = tpu.memref_slice %arg10[%mul3A_0, %dma_start3A_24] : memref<10240x128xf32, #tpu.memory_space<vmem_shared>> -> memref<640x128xf32, #tpu.memory_space<vmem_shared>>
      tpu.enqueue_dma source(%dma_start3A_25 : memref<640x128xf32, #tpu.memory_space<vmem_shared>>) target(%dma_start3A_23 : memref<640x128xf32, #tpu.memory_space<hbm>>) target_semaphore(%run_scoped3A : memref<!tpu.dma_semaphore, #tpu.memory_space<semaphore_mem>>)
      %dma_wait3A = arith.constant 0 : i32
      %dma_wait3A_26 = tpu.memref_slice %arg6[%arg0, %mul3A_0, %dma_wait3A] : memref<2x10240x128xf32, #tpu.memory_space<hbm>> -> memref<1x640x128xf32, #tpu.memory_space<hbm>>
      %dma_wait3A_27 = tpu.memref_squeeze %dma_wait3A_26 : memref<1x640x128xf32, #tpu.memory_space<hbm>> -> memref<640x128xf32, #tpu.memory_space<hbm>>
      %dma_wait3A_28 = arith.constant 0 : i32
      %dma_wait3A_29 = tpu.memref_slice %arg10[%mul3A_0, %dma_wait3A_28] : memref<10240x128xf32, #tpu.memory_space<vmem_shared>> -> memref<640x128xf32, #tpu.memory_space<vmem_shared>>
      tpu.wait_dma2 semaphore(%run_scoped3A : memref<!tpu.dma_semaphore, #tpu.memory_space<semaphore_mem>>) src(%dma_wait3A_29 : memref<640x128xf32, #tpu.memory_space<vmem_shared>>) dst(%dma_wait3A_27 : memref<640x128xf32, #tpu.memory_space<hbm>>)
      tpu.yield
    }) : () -> ()
    "tpu.trace_stop"() : () -> ()
    return
  }
}

#map = affine_map<(d0, d1) -> (0, 0, 0)>
#map1 = affine_map<(d0, d1) -> (0, 0)>
module attributes {stable_mosaic.version = 14 : i64} {
  func.func @sage_cnt(%arg0: i32, %arg1: i32, %arg2: memref<32x80x128xi32, #tpu.memory_space<hbm>>, %arg3: memref<640x128xf32, #tpu.memory_space<hbm>>, %arg4: memref<128x128xf32, #tpu.memory_space<hbm>>, %arg5: memref<2x10240x128xf32, #tpu.memory_space<hbm>>, %arg6: memref<80x128xi32, #tpu.memory_space<vmem>>, %arg7: memref<128x128xf32, #tpu.memory_space<vmem>>, %arg8: memref<10240x128xf32, #tpu.memory_space<vmem_shared>>, %arg9: memref<!tpu.dma_semaphore, #tpu.memory_space<semaphore_mem>>) attributes {dimension_semantics = [#tpu.dimension_semantics<core_parallel>, #tpu.dimension_semantics<subcore_parallel>], iteration_bounds = array<i64: 2, 16>, scalar_prefetch = 0 : i64, scratch_operands = 4 : i64, tpu.core_type = #tpu.core_type<sc_vector_subcore>, window_params = [{transform_indices = #map}, {transform_indices = #map1}, {transform_indices = #map1}, {transform_indices = #map}]} {
    %mul3A = arith.constant 16 : i32
    %mul3A_0 = arith.muli %arg0, %mul3A : i32
    %add3A = arith.addi %mul3A_0, %arg1 : i32
    %mul3A_1 = arith.constant 640 : i32
    %mul3A_2 = arith.muli %arg1, %mul3A_1 : i32
    "tpu.region"() ({
      %run_scoped3A = tpu.sem_alloc : memref<!tpu.dma_semaphore, #tpu.memory_space<semaphore_mem>>
      %dma_start3A = arith.constant 0 : i32
      %dma_start3A_9 = tpu.memref_slice %arg8[%mul3A_2, %dma_start3A] : memref<10240x128xf32, #tpu.memory_space<vmem_shared>> -> memref<640x128xf32, #tpu.memory_space<vmem_shared>>
      tpu.enqueue_dma source(%arg3 : memref<640x128xf32, #tpu.memory_space<hbm>>) target(%dma_start3A_9 : memref<640x128xf32, #tpu.memory_space<vmem_shared>>) target_semaphore(%run_scoped3A : memref<!tpu.dma_semaphore, #tpu.memory_space<semaphore_mem>>)
      %dma_wait3A = arith.constant 0 : i32
      %dma_wait3A_10 = tpu.memref_slice %arg8[%mul3A_2, %dma_wait3A] : memref<10240x128xf32, #tpu.memory_space<vmem_shared>> -> memref<640x128xf32, #tpu.memory_space<vmem_shared>>
      tpu.wait_dma2 semaphore(%run_scoped3A : memref<!tpu.dma_semaphore, #tpu.memory_space<semaphore_mem>>) src(%arg3 : memref<640x128xf32, #tpu.memory_space<hbm>>) dst(%dma_wait3A_10 : memref<640x128xf32, #tpu.memory_space<vmem_shared>>)
      tpu.yield
    }) : () -> ()
    "tpu.region"() ({
      %run_scoped3A = tpu.sem_alloc : memref<!tpu.dma_semaphore, #tpu.memory_space<semaphore_mem>>
      tpu.enqueue_dma source(%arg4 : memref<128x128xf32, #tpu.memory_space<hbm>>) target(%arg7 : memref<128x128xf32, #tpu.memory_space<vmem>>) target_semaphore(%run_scoped3A : memref<!tpu.dma_semaphore, #tpu.memory_space<semaphore_mem>>)
      tpu.wait_dma2 semaphore(%run_scoped3A : memref<!tpu.dma_semaphore, #tpu.memory_space<semaphore_mem>>) src(%arg4 : memref<128x128xf32, #tpu.memory_space<hbm>>) dst(%arg7 : memref<128x128xf32, #tpu.memory_space<vmem>>)
      tpu.yield
    }) : () -> ()
    "tpu.region"() ({
      %run_scoped3A = tpu.sem_alloc : memref<!tpu.dma_semaphore, #tpu.memory_space<semaphore_mem>>
      %dma_start3A = arith.constant 0 : i32
      %dma_start3A_9 = arith.constant 0 : i32
      %dma_start3A_10 = tpu.memref_slice %arg2[%add3A, %dma_start3A, %dma_start3A_9] : memref<32x80x128xi32, #tpu.memory_space<hbm>> -> memref<1x80x128xi32, #tpu.memory_space<hbm>>
      %dma_start3A_11 = tpu.memref_squeeze %dma_start3A_10 : memref<1x80x128xi32, #tpu.memory_space<hbm>> -> memref<80x128xi32, #tpu.memory_space<hbm>>
      %dma_start3A_12 = arith.constant 0 : i32
      %dma_start3A_13 = arith.constant 0 : i32
      %dma_start3A_14 = tpu.memref_slice %arg2[%add3A, %dma_start3A_12, %dma_start3A_13] : memref<32x80x128xi32, #tpu.memory_space<hbm>> -> memref<1x80x128xi32, #tpu.memory_space<hbm>>
      %dma_start3A_15 = tpu.memref_squeeze %dma_start3A_14 : memref<1x80x128xi32, #tpu.memory_space<hbm>> -> memref<80x128xi32, #tpu.memory_space<hbm>>
      tpu.enqueue_dma source(%dma_start3A_15 : memref<80x128xi32, #tpu.memory_space<hbm>>) target(%arg6 : memref<80x128xi32, #tpu.memory_space<vmem>>) target_semaphore(%run_scoped3A : memref<!tpu.dma_semaphore, #tpu.memory_space<semaphore_mem>>)
      %dma_wait3A = arith.constant 0 : i32
      %dma_wait3A_16 = arith.constant 0 : i32
      %dma_wait3A_17 = tpu.memref_slice %arg2[%add3A, %dma_wait3A, %dma_wait3A_16] : memref<32x80x128xi32, #tpu.memory_space<hbm>> -> memref<1x80x128xi32, #tpu.memory_space<hbm>>
      %dma_wait3A_18 = tpu.memref_squeeze %dma_wait3A_17 : memref<1x80x128xi32, #tpu.memory_space<hbm>> -> memref<80x128xi32, #tpu.memory_space<hbm>>
      %dma_wait3A_19 = arith.constant 0 : i32
      %dma_wait3A_20 = arith.constant 0 : i32
      %dma_wait3A_21 = tpu.memref_slice %arg2[%add3A, %dma_wait3A_19, %dma_wait3A_20] : memref<32x80x128xi32, #tpu.memory_space<hbm>> -> memref<1x80x128xi32, #tpu.memory_space<hbm>>
      %dma_wait3A_22 = tpu.memref_squeeze %dma_wait3A_21 : memref<1x80x128xi32, #tpu.memory_space<hbm>> -> memref<80x128xi32, #tpu.memory_space<hbm>>
      tpu.wait_dma2 semaphore(%run_scoped3A : memref<!tpu.dma_semaphore, #tpu.memory_space<semaphore_mem>>) src(%dma_wait3A_22 : memref<80x128xi32, #tpu.memory_space<hbm>>) dst(%arg6 : memref<80x128xi32, #tpu.memory_space<vmem>>)
      tpu.yield
    }) : () -> ()
    %barrier3A = arith.constant 0 : index
    tpu.barrier barrier_id(%barrier3A)
    %scan3A = arith.constant 0 : i32
    %scan3A_3 = arith.constant 0 : i32
    %scan3A_4 = arith.constant 80 : i32
    %scan3A_5 = arith.addi %scan3A_3, %scan3A_4 : i32
    %scan3A_6 = arith.constant 1 : i32
    scf.for %scan3A_9 = %scan3A_3 to %scan3A_5 step %scan3A_6  : i32 {
      "tpu.region"() ({
        %run_scoped3A = tpu.sem_alloc : memref<!tpu.dma_semaphore, #tpu.memory_space<semaphore_mem>>
        %dma_start3A = arith.constant 0 : i32
        %dma_start3A_10 = tpu.memref_slice %arg6[%scan3A_9, %dma_start3A] : memref<80x128xi32, #tpu.memory_space<vmem>> -> memref<1x128xi32, #tpu.memory_space<vmem>>
        %dma_start3A_11 = tpu.memref_squeeze %dma_start3A_10 : memref<1x128xi32, #tpu.memory_space<vmem>> -> memref<128xi32, #tpu.memory_space<vmem>>
        %dma_start3A_12 = arith.constant 0 : i32
        %dma_start3A_13 = arith.constant 0 : i32
        %dma_start3A_14 = tpu.memref_slice %arg8[%dma_start3A_12, %dma_start3A_13] : memref<10240x128xf32, #tpu.memory_space<vmem_shared>> -> memref<10240x128xf32, #tpu.memory_space<vmem_shared>>
        tpu.enqueue_indirect_dma source(%arg7 : memref<128x128xf32, #tpu.memory_space<vmem>>) target(%dma_start3A_14 : memref<10240x128xf32, #tpu.memory_space<vmem_shared>>) offsets(%dma_start3A_11 : memref<128xi32, #tpu.memory_space<vmem>>) semaphore(%run_scoped3A : memref<!tpu.dma_semaphore, #tpu.memory_space<semaphore_mem>>) {add = true}
        %dma_wait3A = arith.constant 0 : i32
        %dma_wait3A_15 = tpu.memref_slice %arg6[%scan3A_9, %dma_wait3A] : memref<80x128xi32, #tpu.memory_space<vmem>> -> memref<1x128xi32, #tpu.memory_space<vmem>>
        %dma_wait3A_16 = tpu.memref_squeeze %dma_wait3A_15 : memref<1x128xi32, #tpu.memory_space<vmem>> -> memref<128xi32, #tpu.memory_space<vmem>>
        %dma_wait3A_17 = arith.constant 0 : i32
        %dma_wait3A_18 = arith.constant 0 : i32
        %dma_wait3A_19 = tpu.memref_slice %arg8[%dma_wait3A_17, %dma_wait3A_18] : memref<10240x128xf32, #tpu.memory_space<vmem_shared>> -> memref<10240x128xf32, #tpu.memory_space<vmem_shared>>
        tpu.wait_indirect_dma semaphore(%run_scoped3A : memref<!tpu.dma_semaphore, #tpu.memory_space<semaphore_mem>>) src(%arg7 : memref<128x128xf32, #tpu.memory_space<vmem>>) dst(%dma_wait3A_19 : memref<10240x128xf32, #tpu.memory_space<vmem_shared>>)
        tpu.yield
      }) : () -> ()
    }
    %scan3A_7 = arith.constant 80 : i32
    %barrier3A_8 = arith.constant 0 : index
    tpu.barrier barrier_id(%barrier3A_8)
    "tpu.region"() ({
      %run_scoped3A = tpu.sem_alloc : memref<!tpu.dma_semaphore, #tpu.memory_space<semaphore_mem>>
      %dma_start3A = arith.constant 0 : i32
      %dma_start3A_9 = tpu.memref_slice %arg5[%arg0, %mul3A_2, %dma_start3A] : memref<2x10240x128xf32, #tpu.memory_space<hbm>> -> memref<1x640x128xf32, #tpu.memory_space<hbm>>
      %dma_start3A_10 = tpu.memref_squeeze %dma_start3A_9 : memref<1x640x128xf32, #tpu.memory_space<hbm>> -> memref<640x128xf32, #tpu.memory_space<hbm>>
      %dma_start3A_11 = arith.constant 0 : i32
      %dma_start3A_12 = tpu.memref_slice %arg8[%mul3A_2, %dma_start3A_11] : memref<10240x128xf32, #tpu.memory_space<vmem_shared>> -> memref<640x128xf32, #tpu.memory_space<vmem_shared>>
      tpu.enqueue_dma source(%dma_start3A_12 : memref<640x128xf32, #tpu.memory_space<vmem_shared>>) target(%dma_start3A_10 : memref<640x128xf32, #tpu.memory_space<hbm>>) target_semaphore(%run_scoped3A : memref<!tpu.dma_semaphore, #tpu.memory_space<semaphore_mem>>)
      %dma_wait3A = arith.constant 0 : i32
      %dma_wait3A_13 = tpu.memref_slice %arg5[%arg0, %mul3A_2, %dma_wait3A] : memref<2x10240x128xf32, #tpu.memory_space<hbm>> -> memref<1x640x128xf32, #tpu.memory_space<hbm>>
      %dma_wait3A_14 = tpu.memref_squeeze %dma_wait3A_13 : memref<1x640x128xf32, #tpu.memory_space<hbm>> -> memref<640x128xf32, #tpu.memory_space<hbm>>
      %dma_wait3A_15 = arith.constant 0 : i32
      %dma_wait3A_16 = tpu.memref_slice %arg8[%mul3A_2, %dma_wait3A_15] : memref<10240x128xf32, #tpu.memory_space<vmem_shared>> -> memref<640x128xf32, #tpu.memory_space<vmem_shared>>
      tpu.wait_dma2 semaphore(%run_scoped3A : memref<!tpu.dma_semaphore, #tpu.memory_space<semaphore_mem>>) src(%dma_wait3A_16 : memref<640x128xf32, #tpu.memory_space<vmem_shared>>) dst(%dma_wait3A_14 : memref<640x128xf32, #tpu.memory_space<hbm>>)
      tpu.yield
    }) : () -> ()
    return
  }
}

#map = affine_map<(d0, d1) -> (0, 0)>
#map1 = affine_map<(d0, d1) -> (0, 0, 0)>
module attributes {stable_mosaic.version = 14 : i64} {
  func.func @sage_agg(%arg0: i32, %arg1: i32, %arg2: memref<10240x128xf32, #tpu.memory_space<hbm>>, %arg3: memref<2560x128xi32, #tpu.memory_space<hbm>>, %arg4: memref<2560x128xi32, #tpu.memory_space<hbm>>, %arg5: memref<640x128xf32, #tpu.memory_space<hbm>>, %arg6: memref<2x10240x128xf32, #tpu.memory_space<hbm>>, %arg7: memref<80x128xi32, #tpu.memory_space<vmem>>, %arg8: memref<80x128xi32, #tpu.memory_space<vmem>>, %arg9: memref<128x128xf32, #tpu.memory_space<vmem>>, %arg10: memref<10240x128xf32, #tpu.memory_space<vmem_shared>>, %arg11: memref<!tpu.dma_semaphore, #tpu.memory_space<semaphore_mem>>) attributes {dimension_semantics = [#tpu.dimension_semantics<core_parallel>, #tpu.dimension_semantics<subcore_parallel>], iteration_bounds = array<i64: 2, 16>, scalar_prefetch = 0 : i64, scratch_operands = 5 : i64, tpu.core_type = #tpu.core_type<sc_vector_subcore>, window_params = [{transform_indices = #map}, {transform_indices = #map}, {transform_indices = #map}, {transform_indices = #map}, {transform_indices = #map1}]} {
    %mul3A = arith.constant 640 : i32
    %mul3A_0 = arith.muli %arg1, %mul3A : i32
    %eq3A = arith.constant 0 : i32
    %eq3A_1 = arith.cmpi eq, %arg0, %eq3A : i32
    %jit3A = arith.constant 80 : i32
    %jit3A_2 = arith.constant 80 : i32
    %select_n3A = arith.select %eq3A_1, %jit3A, %jit3A_2 : i32
    %eq3A_3 = arith.constant 0 : i32
    %eq3A_4 = arith.cmpi eq, %arg0, %eq3A_3 : i32
    %mul3A_5 = arith.constant 80 : i32
    %mul3A_6 = arith.muli %arg1, %mul3A_5 : i32
    %mul3A_7 = arith.constant 80 : i32
    %mul3A_8 = arith.muli %arg1, %mul3A_7 : i32
    %add3A = arith.constant 1280 : i32
    %add3A_9 = arith.addi %add3A, %mul3A_8 : i32
    %select_n3A_10 = arith.select %eq3A_4, %mul3A_6, %add3A_9 : i32
    %min3A = arith.constant 2480 : i32
    %min3A_11 = arith.minsi %select_n3A_10, %min3A : i32
    %multiple_of3A = tpu.assume_multiple %min3A_11, 8 : i32
    %sub3A = arith.subi %select_n3A_10, %multiple_of3A : i32
    "tpu.trace_start"() <{level = 10 : i32, message = "agg_init"}> : () -> ()
    "tpu.region"() ({
      %run_scoped3A = tpu.sem_alloc : memref<!tpu.dma_semaphore, #tpu.memory_space<semaphore_mem>>
      %dma_start3A = arith.constant 0 : i32
      %dma_start3A_22 = tpu.memref_slice %arg10[%mul3A_0, %dma_start3A] : memref<10240x128xf32, #tpu.memory_space<vmem_shared>> -> memref<640x128xf32, #tpu.memory_space<vmem_shared>>
      tpu.enqueue_dma source(%arg5 : memref<640x128xf32, #tpu.memory_space<hbm>>) target(%dma_start3A_22 : memref<640x128xf32, #tpu.memory_space<vmem_shared>>) target_semaphore(%run_scoped3A : memref<!tpu.dma_semaphore, #tpu.memory_space<semaphore_mem>>)
      %dma_wait3A = arith.constant 0 : i32
      %dma_wait3A_23 = tpu.memref_slice %arg10[%mul3A_0, %dma_wait3A] : memref<10240x128xf32, #tpu.memory_space<vmem_shared>> -> memref<640x128xf32, #tpu.memory_space<vmem_shared>>
      tpu.wait_dma2 semaphore(%run_scoped3A : memref<!tpu.dma_semaphore, #tpu.memory_space<semaphore_mem>>) src(%arg5 : memref<640x128xf32, #tpu.memory_space<hbm>>) dst(%dma_wait3A_23 : memref<640x128xf32, #tpu.memory_space<vmem_shared>>)
      tpu.yield
    }) : () -> ()
    "tpu.region"() ({
      %run_scoped3A = tpu.sem_alloc : memref<!tpu.dma_semaphore, #tpu.memory_space<semaphore_mem>>
      %dma_start3A = arith.constant 0 : i32
      %dma_start3A_22 = tpu.memref_slice %arg3[%multiple_of3A, %dma_start3A] : memref<2560x128xi32, #tpu.memory_space<hbm>> -> memref<80x128xi32, #tpu.memory_space<hbm>>
      %dma_start3A_23 = arith.constant 0 : i32
      %dma_start3A_24 = tpu.memref_slice %arg3[%multiple_of3A, %dma_start3A_23] : memref<2560x128xi32, #tpu.memory_space<hbm>> -> memref<80x128xi32, #tpu.memory_space<hbm>>
      tpu.enqueue_dma source(%dma_start3A_24 : memref<80x128xi32, #tpu.memory_space<hbm>>) target(%arg7 : memref<80x128xi32, #tpu.memory_space<vmem>>) target_semaphore(%run_scoped3A : memref<!tpu.dma_semaphore, #tpu.memory_space<semaphore_mem>>)
      %dma_wait3A = arith.constant 0 : i32
      %dma_wait3A_25 = tpu.memref_slice %arg3[%multiple_of3A, %dma_wait3A] : memref<2560x128xi32, #tpu.memory_space<hbm>> -> memref<80x128xi32, #tpu.memory_space<hbm>>
      %dma_wait3A_26 = arith.constant 0 : i32
      %dma_wait3A_27 = tpu.memref_slice %arg3[%multiple_of3A, %dma_wait3A_26] : memref<2560x128xi32, #tpu.memory_space<hbm>> -> memref<80x128xi32, #tpu.memory_space<hbm>>
      tpu.wait_dma2 semaphore(%run_scoped3A : memref<!tpu.dma_semaphore, #tpu.memory_space<semaphore_mem>>) src(%dma_wait3A_27 : memref<80x128xi32, #tpu.memory_space<hbm>>) dst(%arg7 : memref<80x128xi32, #tpu.memory_space<vmem>>)
      tpu.yield
    }) : () -> ()
    "tpu.region"() ({
      %run_scoped3A = tpu.sem_alloc : memref<!tpu.dma_semaphore, #tpu.memory_space<semaphore_mem>>
      %dma_start3A = arith.constant 0 : i32
      %dma_start3A_22 = tpu.memref_slice %arg4[%multiple_of3A, %dma_start3A] : memref<2560x128xi32, #tpu.memory_space<hbm>> -> memref<80x128xi32, #tpu.memory_space<hbm>>
      %dma_start3A_23 = arith.constant 0 : i32
      %dma_start3A_24 = tpu.memref_slice %arg4[%multiple_of3A, %dma_start3A_23] : memref<2560x128xi32, #tpu.memory_space<hbm>> -> memref<80x128xi32, #tpu.memory_space<hbm>>
      tpu.enqueue_dma source(%dma_start3A_24 : memref<80x128xi32, #tpu.memory_space<hbm>>) target(%arg8 : memref<80x128xi32, #tpu.memory_space<vmem>>) target_semaphore(%run_scoped3A : memref<!tpu.dma_semaphore, #tpu.memory_space<semaphore_mem>>)
      %dma_wait3A = arith.constant 0 : i32
      %dma_wait3A_25 = tpu.memref_slice %arg4[%multiple_of3A, %dma_wait3A] : memref<2560x128xi32, #tpu.memory_space<hbm>> -> memref<80x128xi32, #tpu.memory_space<hbm>>
      %dma_wait3A_26 = arith.constant 0 : i32
      %dma_wait3A_27 = tpu.memref_slice %arg4[%multiple_of3A, %dma_wait3A_26] : memref<2560x128xi32, #tpu.memory_space<hbm>> -> memref<80x128xi32, #tpu.memory_space<hbm>>
      tpu.wait_dma2 semaphore(%run_scoped3A : memref<!tpu.dma_semaphore, #tpu.memory_space<semaphore_mem>>) src(%dma_wait3A_27 : memref<80x128xi32, #tpu.memory_space<hbm>>) dst(%arg8 : memref<80x128xi32, #tpu.memory_space<vmem>>)
      tpu.yield
    }) : () -> ()
    %barrier3A = arith.constant 0 : index
    tpu.barrier barrier_id(%barrier3A)
    %while3A = arith.constant 0 : i32
    %while3A_12 = arith.constant 0 : i32
    "tpu.trace_stop"() : () -> ()
    "tpu.trace_start"() <{level = 10 : i32, message = "agg_loop"}> : () -> ()
    %while3A_13 = arith.subi %select_n3A, %while3A_12 : i32
    %while3A_14 = arith.addi %while3A_12, %while3A_13 : i32
    %while3A_15 = arith.constant 1 : i32
    %while3A_16 = arith.divsi %while3A_13, %while3A_15 : i32
    %while3A_17 = arith.muli %while3A_16, %while3A_15 : i32
    %while3A_18 = arith.addi %while3A_12, %while3A_17 : i32
    %while3A_19 = arith.constant 1 : i32
    scf.for %while3A_22 = %while3A_12 to %while3A_18 step %while3A_19  : i32 {
      %add3A_23 = arith.addi %sub3A, %while3A_22 : i32
      %dma_start3A = arith.constant 0 : i32
      %dma_start3A_24 = tpu.memref_slice %arg7[%add3A_23, %dma_start3A] : memref<80x128xi32, #tpu.memory_space<vmem>> -> memref<1x128xi32, #tpu.memory_space<vmem>>
      %dma_start3A_25 = tpu.memref_squeeze %dma_start3A_24 : memref<1x128xi32, #tpu.memory_space<vmem>> -> memref<128xi32, #tpu.memory_space<vmem>>
      %dma_start3A_26 = arith.constant 0 : i32
      %dma_start3A_27 = arith.constant 0 : i32
      %dma_start3A_28 = tpu.memref_slice %arg2[%dma_start3A_26, %dma_start3A_27] : memref<10240x128xf32, #tpu.memory_space<hbm>> -> memref<10240x128xf32, #tpu.memory_space<hbm>>
      tpu.enqueue_indirect_dma source(%dma_start3A_28 : memref<10240x128xf32, #tpu.memory_space<hbm>>) target(%arg9 : memref<128x128xf32, #tpu.memory_space<vmem>>) offsets(%dma_start3A_25 : memref<128xi32, #tpu.memory_space<vmem>>) semaphore(%arg11 : memref<!tpu.dma_semaphore, #tpu.memory_space<semaphore_mem>>)
      %dma_wait3A = arith.constant 0 : i32
      %dma_wait3A_29 = tpu.memref_slice %arg7[%add3A_23, %dma_wait3A] : memref<80x128xi32, #tpu.memory_space<vmem>> -> memref<1x128xi32, #tpu.memory_space<vmem>>
      %dma_wait3A_30 = tpu.memref_squeeze %dma_wait3A_29 : memref<1x128xi32, #tpu.memory_space<vmem>> -> memref<128xi32, #tpu.memory_space<vmem>>
      %dma_wait3A_31 = arith.constant 0 : i32
      %dma_wait3A_32 = arith.constant 0 : i32
      %dma_wait3A_33 = tpu.memref_slice %arg2[%dma_wait3A_31, %dma_wait3A_32] : memref<10240x128xf32, #tpu.memory_space<hbm>> -> memref<10240x128xf32, #tpu.memory_space<hbm>>
      tpu.wait_indirect_dma semaphore(%arg11 : memref<!tpu.dma_semaphore, #tpu.memory_space<semaphore_mem>>) src(%dma_wait3A_33 : memref<10240x128xf32, #tpu.memory_space<hbm>>) dst(%arg9 : memref<128x128xf32, #tpu.memory_space<vmem>>)
      %add3A_34 = arith.addi %sub3A, %while3A_22 : i32
      "tpu.region"() ({
        %run_scoped3A = tpu.sem_alloc : memref<!tpu.dma_semaphore, #tpu.memory_space<semaphore_mem>>
        %dma_start3A_35 = arith.constant 0 : i32
        %dma_start3A_36 = tpu.memref_slice %arg8[%add3A_34, %dma_start3A_35] : memref<80x128xi32, #tpu.memory_space<vmem>> -> memref<1x128xi32, #tpu.memory_space<vmem>>
        %dma_start3A_37 = tpu.memref_squeeze %dma_start3A_36 : memref<1x128xi32, #tpu.memory_space<vmem>> -> memref<128xi32, #tpu.memory_space<vmem>>
        %dma_start3A_38 = arith.constant 0 : i32
        %dma_start3A_39 = arith.constant 0 : i32
        %dma_start3A_40 = tpu.memref_slice %arg10[%dma_start3A_38, %dma_start3A_39] : memref<10240x128xf32, #tpu.memory_space<vmem_shared>> -> memref<10240x128xf32, #tpu.memory_space<vmem_shared>>
        tpu.enqueue_indirect_dma source(%arg9 : memref<128x128xf32, #tpu.memory_space<vmem>>) target(%dma_start3A_40 : memref<10240x128xf32, #tpu.memory_space<vmem_shared>>) offsets(%dma_start3A_37 : memref<128xi32, #tpu.memory_space<vmem>>) semaphore(%run_scoped3A : memref<!tpu.dma_semaphore, #tpu.memory_space<semaphore_mem>>) {add = true}
        %dma_wait3A_41 = arith.constant 0 : i32
        %dma_wait3A_42 = tpu.memref_slice %arg8[%add3A_34, %dma_wait3A_41] : memref<80x128xi32, #tpu.memory_space<vmem>> -> memref<1x128xi32, #tpu.memory_space<vmem>>
        %dma_wait3A_43 = tpu.memref_squeeze %dma_wait3A_42 : memref<1x128xi32, #tpu.memory_space<vmem>> -> memref<128xi32, #tpu.memory_space<vmem>>
        %dma_wait3A_44 = arith.constant 0 : i32
        %dma_wait3A_45 = arith.constant 0 : i32
        %dma_wait3A_46 = tpu.memref_slice %arg10[%dma_wait3A_44, %dma_wait3A_45] : memref<10240x128xf32, #tpu.memory_space<vmem_shared>> -> memref<10240x128xf32, #tpu.memory_space<vmem_shared>>
        tpu.wait_indirect_dma semaphore(%run_scoped3A : memref<!tpu.dma_semaphore, #tpu.memory_space<semaphore_mem>>) src(%arg9 : memref<128x128xf32, #tpu.memory_space<vmem>>) dst(%dma_wait3A_46 : memref<10240x128xf32, #tpu.memory_space<vmem_shared>>)
        tpu.yield
      }) : () -> ()
    }
    %while3A_20 = arith.constant 1 : i32
    scf.for %while3A_22 = %while3A_18 to %while3A_14 step %while3A_20  : i32 {
      %add3A_23 = arith.addi %sub3A, %while3A_22 : i32
      %dma_start3A = arith.constant 0 : i32
      %dma_start3A_24 = tpu.memref_slice %arg7[%add3A_23, %dma_start3A] : memref<80x128xi32, #tpu.memory_space<vmem>> -> memref<1x128xi32, #tpu.memory_space<vmem>>
      %dma_start3A_25 = tpu.memref_squeeze %dma_start3A_24 : memref<1x128xi32, #tpu.memory_space<vmem>> -> memref<128xi32, #tpu.memory_space<vmem>>
      %dma_start3A_26 = arith.constant 0 : i32
      %dma_start3A_27 = arith.constant 0 : i32
      %dma_start3A_28 = tpu.memref_slice %arg2[%dma_start3A_26, %dma_start3A_27] : memref<10240x128xf32, #tpu.memory_space<hbm>> -> memref<10240x128xf32, #tpu.memory_space<hbm>>
      tpu.enqueue_indirect_dma source(%dma_start3A_28 : memref<10240x128xf32, #tpu.memory_space<hbm>>) target(%arg9 : memref<128x128xf32, #tpu.memory_space<vmem>>) offsets(%dma_start3A_25 : memref<128xi32, #tpu.memory_space<vmem>>) semaphore(%arg11 : memref<!tpu.dma_semaphore, #tpu.memory_space<semaphore_mem>>)
      %dma_wait3A = arith.constant 0 : i32
      %dma_wait3A_29 = tpu.memref_slice %arg7[%add3A_23, %dma_wait3A] : memref<80x128xi32, #tpu.memory_space<vmem>> -> memref<1x128xi32, #tpu.memory_space<vmem>>
      %dma_wait3A_30 = tpu.memref_squeeze %dma_wait3A_29 : memref<1x128xi32, #tpu.memory_space<vmem>> -> memref<128xi32, #tpu.memory_space<vmem>>
      %dma_wait3A_31 = arith.constant 0 : i32
      %dma_wait3A_32 = arith.constant 0 : i32
      %dma_wait3A_33 = tpu.memref_slice %arg2[%dma_wait3A_31, %dma_wait3A_32] : memref<10240x128xf32, #tpu.memory_space<hbm>> -> memref<10240x128xf32, #tpu.memory_space<hbm>>
      tpu.wait_indirect_dma semaphore(%arg11 : memref<!tpu.dma_semaphore, #tpu.memory_space<semaphore_mem>>) src(%dma_wait3A_33 : memref<10240x128xf32, #tpu.memory_space<hbm>>) dst(%arg9 : memref<128x128xf32, #tpu.memory_space<vmem>>)
      %add3A_34 = arith.addi %sub3A, %while3A_22 : i32
      "tpu.region"() ({
        %run_scoped3A = tpu.sem_alloc : memref<!tpu.dma_semaphore, #tpu.memory_space<semaphore_mem>>
        %dma_start3A_35 = arith.constant 0 : i32
        %dma_start3A_36 = tpu.memref_slice %arg8[%add3A_34, %dma_start3A_35] : memref<80x128xi32, #tpu.memory_space<vmem>> -> memref<1x128xi32, #tpu.memory_space<vmem>>
        %dma_start3A_37 = tpu.memref_squeeze %dma_start3A_36 : memref<1x128xi32, #tpu.memory_space<vmem>> -> memref<128xi32, #tpu.memory_space<vmem>>
        %dma_start3A_38 = arith.constant 0 : i32
        %dma_start3A_39 = arith.constant 0 : i32
        %dma_start3A_40 = tpu.memref_slice %arg10[%dma_start3A_38, %dma_start3A_39] : memref<10240x128xf32, #tpu.memory_space<vmem_shared>> -> memref<10240x128xf32, #tpu.memory_space<vmem_shared>>
        tpu.enqueue_indirect_dma source(%arg9 : memref<128x128xf32, #tpu.memory_space<vmem>>) target(%dma_start3A_40 : memref<10240x128xf32, #tpu.memory_space<vmem_shared>>) offsets(%dma_start3A_37 : memref<128xi32, #tpu.memory_space<vmem>>) semaphore(%run_scoped3A : memref<!tpu.dma_semaphore, #tpu.memory_space<semaphore_mem>>) {add = true}
        %dma_wait3A_41 = arith.constant 0 : i32
        %dma_wait3A_42 = tpu.memref_slice %arg8[%add3A_34, %dma_wait3A_41] : memref<80x128xi32, #tpu.memory_space<vmem>> -> memref<1x128xi32, #tpu.memory_space<vmem>>
        %dma_wait3A_43 = tpu.memref_squeeze %dma_wait3A_42 : memref<1x128xi32, #tpu.memory_space<vmem>> -> memref<128xi32, #tpu.memory_space<vmem>>
        %dma_wait3A_44 = arith.constant 0 : i32
        %dma_wait3A_45 = arith.constant 0 : i32
        %dma_wait3A_46 = tpu.memref_slice %arg10[%dma_wait3A_44, %dma_wait3A_45] : memref<10240x128xf32, #tpu.memory_space<vmem_shared>> -> memref<10240x128xf32, #tpu.memory_space<vmem_shared>>
        tpu.wait_indirect_dma semaphore(%run_scoped3A : memref<!tpu.dma_semaphore, #tpu.memory_space<semaphore_mem>>) src(%arg9 : memref<128x128xf32, #tpu.memory_space<vmem>>) dst(%dma_wait3A_46 : memref<10240x128xf32, #tpu.memory_space<vmem_shared>>)
        tpu.yield
      }) : () -> ()
    }
    "tpu.trace_stop"() : () -> ()
    "tpu.trace_start"() <{level = 10 : i32, message = "agg_bar"}> : () -> ()
    %barrier3A_21 = arith.constant 0 : index
    tpu.barrier barrier_id(%barrier3A_21)
    "tpu.trace_stop"() : () -> ()
    "tpu.trace_start"() <{level = 10 : i32, message = "agg_out"}> : () -> ()
    "tpu.region"() ({
      %run_scoped3A = tpu.sem_alloc : memref<!tpu.dma_semaphore, #tpu.memory_space<semaphore_mem>>
      %dma_start3A = arith.constant 0 : i32
      %dma_start3A_22 = tpu.memref_slice %arg6[%arg0, %mul3A_0, %dma_start3A] : memref<2x10240x128xf32, #tpu.memory_space<hbm>> -> memref<1x640x128xf32, #tpu.memory_space<hbm>>
      %dma_start3A_23 = tpu.memref_squeeze %dma_start3A_22 : memref<1x640x128xf32, #tpu.memory_space<hbm>> -> memref<640x128xf32, #tpu.memory_space<hbm>>
      %dma_start3A_24 = arith.constant 0 : i32
      %dma_start3A_25 = tpu.memref_slice %arg10[%mul3A_0, %dma_start3A_24] : memref<10240x128xf32, #tpu.memory_space<vmem_shared>> -> memref<640x128xf32, #tpu.memory_space<vmem_shared>>
      tpu.enqueue_dma source(%dma_start3A_25 : memref<640x128xf32, #tpu.memory_space<vmem_shared>>) target(%dma_start3A_23 : memref<640x128xf32, #tpu.memory_space<hbm>>) target_semaphore(%run_scoped3A : memref<!tpu.dma_semaphore, #tpu.memory_space<semaphore_mem>>)
      %dma_wait3A = arith.constant 0 : i32
      %dma_wait3A_26 = tpu.memref_slice %arg6[%arg0, %mul3A_0, %dma_wait3A] : memref<2x10240x128xf32, #tpu.memory_space<hbm>> -> memref<1x640x128xf32, #tpu.memory_space<hbm>>
      %dma_wait3A_27 = tpu.memref_squeeze %dma_wait3A_26 : memref<1x640x128xf32, #tpu.memory_space<hbm>> -> memref<640x128xf32, #tpu.memory_space<hbm>>
      %dma_wait3A_28 = arith.constant 0 : i32
      %dma_wait3A_29 = tpu.memref_slice %arg10[%mul3A_0, %dma_wait3A_28] : memref<10240x128xf32, #tpu.memory_space<vmem_shared>> -> memref<640x128xf32, #tpu.memory_space<vmem_shared>>
      tpu.wait_dma2 semaphore(%run_scoped3A : memref<!tpu.dma_semaphore, #tpu.memory_space<semaphore_mem>>) src(%dma_wait3A_29 : memref<640x128xf32, #tpu.memory_space<vmem_shared>>) dst(%dma_wait3A_27 : memref<640x128xf32, #tpu.memory_space<hbm>>)
      tpu.yield
    }) : () -> ()
    "tpu.trace_stop"() : () -> ()
    return
  }
}

module attributes {stable_mosaic.version = 14 : i64} {
  func.func @_sage_tc1_body(%arg0: i32, %arg1: memref<2x512x128xf32, #tpu.memory_space<vmem>>, %arg2: memref<2x512x16xf32, #tpu.memory_space<vmem>>, %arg3: memref<512x128xf32, #tpu.memory_space<vmem>>, %arg4: memref<128x128xf32, #tpu.memory_space<vmem>>, %arg5: memref<1x128xf32, #tpu.memory_space<vmem>>, %arg6: memref<128x128xf32, #tpu.memory_space<vmem>>, %arg7: memref<512x128xf32, #tpu.memory_space<vmem>>) attributes {dimension_semantics = [#tpu.dimension_semantics<arbitrary>], iteration_bounds = array<i64: 20>, scalar_prefetch = 0 : i64, scratch_operands = 0 : i64, tpu.core_type = #tpu.core_type<tc>, window_params = [{transform_indices = @transform_0, window_bounds = array<i64: 2, 512, 128>}, {transform_indices = @transform_1, window_bounds = array<i64: 2, 512, 16>}, {transform_indices = @transform_2, window_bounds = array<i64: 512, 128>}, {pipeline_mode = #tpu.pipeline_mode<synchronous>, transform_indices = @transform_3, window_bounds = array<i64: 128, 128>}, {pipeline_mode = #tpu.pipeline_mode<synchronous>, transform_indices = @transform_4, window_bounds = array<i64: 1, 128>}, {pipeline_mode = #tpu.pipeline_mode<synchronous>, transform_indices = @transform_5, window_bounds = array<i64: 128, 128>}, {transform_indices = @transform_6, window_bounds = array<i64: 512, 128>}]} {
    %get3A = arith.constant 0 : index
    %get3A_0 = arith.constant 0 : index
    %get3A_1 = arith.constant 0 : index
    %get3A_2 = vector.load %arg1[%get3A, %get3A_0, %get3A_1] : memref<2x512x128xf32, #tpu.memory_space<vmem>>, vector<1x512x128xf32>
    %get3A_3 = vector.shape_cast %get3A_2 : vector<1x512x128xf32> to vector<512x128xf32>
    %get3A_4 = arith.constant 1 : index
    %get3A_5 = arith.constant 0 : index
    %get3A_6 = arith.constant 0 : index
    %get3A_7 = vector.load %arg1[%get3A_4, %get3A_5, %get3A_6] : memref<2x512x128xf32, #tpu.memory_space<vmem>>, vector<1x512x128xf32>
    %get3A_8 = vector.shape_cast %get3A_7 : vector<1x512x128xf32> to vector<512x128xf32>
    %add3A = arith.addf %get3A_3, %get3A_8 : vector<512x128xf32>
    %get3A_9 = arith.constant 0 : index
    %get3A_10 = arith.constant 0 : index
    %get3A_11 = arith.constant 0 : index
    %get3A_12 = vector.load %arg2[%get3A_9, %get3A_10, %get3A_11] : memref<2x512x16xf32, #tpu.memory_space<vmem>>, vector<1x512x1xf32>
    %get3A_13 = vector.shape_cast %get3A_12 : vector<1x512x1xf32> to vector<512x1xf32>
    %get3A_14 = arith.constant 1 : index
    %get3A_15 = arith.constant 0 : index
    %get3A_16 = arith.constant 0 : index
    %get3A_17 = vector.load %arg2[%get3A_14, %get3A_15, %get3A_16] : memref<2x512x16xf32, #tpu.memory_space<vmem>>, vector<1x512x1xf32>
    %get3A_18 = vector.shape_cast %get3A_17 : vector<1x512x1xf32> to vector<512x1xf32>
    %add3A_19 = arith.addf %get3A_13, %get3A_18 : vector<512x1xf32>
    %max3A = arith.constant 1.000000e+00 : f32
    %max3A_20 = vector.broadcast %max3A : f32 to vector<512x1xf32>
    %max3A_21 = arith.maximumf %add3A_19, %max3A_20 : vector<512x1xf32>
    %div3A = vector.broadcast %max3A_21 : vector<512x1xf32> to vector<512x128xf32>
    %div3A_22 = arith.divf %add3A, %div3A : vector<512x128xf32>
    %get3A_23 = arith.constant 0 : index
    %get3A_24 = arith.constant 0 : index
    %get3A_25 = vector.load %arg4[%get3A_23, %get3A_24] : memref<128x128xf32, #tpu.memory_space<vmem>>, vector<128x128xf32>
    %dot_general3A = arith.constant dense<0.000000e+00> : vector<512x128xf32>
    %dot_general3A_26 = tpu.matmul %div3A_22, %get3A_25, %dot_general3A {dimension_numbers = #tpu.dot_dimension_numbers<[1], [0], [0], [1], [0, 0, 1, 1], [], []>, transpose_lhs_hint = false} : vector<512x128xf32>, vector<128x128xf32>, vector<512x128xf32> -> vector<512x128xf32>
    %get3A_27 = arith.constant 0 : index
    %get3A_28 = arith.constant 0 : index
    %get3A_29 = vector.load %arg5[%get3A_27, %get3A_28] : memref<1x128xf32, #tpu.memory_space<vmem>>, vector<1x128xf32>
    %add3A_30 = vector.broadcast %get3A_29 : vector<1x128xf32> to vector<512x128xf32>
    %add3A_31 = arith.addf %dot_general3A_26, %add3A_30 : vector<512x128xf32>
    %get3A_32 = arith.constant 0 : index
    %get3A_33 = arith.constant 0 : index
    %get3A_34 = vector.load %arg3[%get3A_32, %get3A_33] : memref<512x128xf32, #tpu.memory_space<vmem>>, vector<512x128xf32>
    %get3A_35 = arith.constant 0 : index
    %get3A_36 = arith.constant 0 : index
    %get3A_37 = vector.load %arg6[%get3A_35, %get3A_36] : memref<128x128xf32, #tpu.memory_space<vmem>>, vector<128x128xf32>
    %dot_general3A_38 = arith.constant dense<0.000000e+00> : vector<512x128xf32>
    %dot_general3A_39 = tpu.matmul %get3A_34, %get3A_37, %dot_general3A_38 {dimension_numbers = #tpu.dot_dimension_numbers<[1], [0], [0], [1], [0, 0, 1, 1], [], []>, transpose_lhs_hint = false} : vector<512x128xf32>, vector<128x128xf32>, vector<512x128xf32> -> vector<512x128xf32>
    %add3A_40 = arith.addf %add3A_31, %dot_general3A_39 : vector<512x128xf32>
    %mul3A = arith.mulf %add3A_40, %add3A_40 : vector<512x128xf32>
    %reduce_sum3A = arith.constant dense<0.000000e+00> : vector<512xf32>
    %reduce_sum3A_41 = vector.multi_reduction <add>, %mul3A, %reduce_sum3A [1] : vector<512x128xf32> to vector<512xf32>
    %broadcast_in_dim3A = vector.shape_cast %reduce_sum3A_41 : vector<512xf32> to vector<512x1xf32>
    %sqrt3A = math.sqrt %broadcast_in_dim3A : vector<512x1xf32>
    %max3A_42 = arith.constant 9.99999996E-13 : f32
    %max3A_43 = vector.broadcast %max3A_42 : f32 to vector<512x1xf32>
    %max3A_44 = arith.maximumf %sqrt3A, %max3A_43 : vector<512x1xf32>
    %div3A_45 = vector.broadcast %max3A_44 : vector<512x1xf32> to vector<512x128xf32>
    %div3A_46 = arith.divf %add3A_40, %div3A_45 : vector<512x128xf32>
    %max3A_47 = arith.constant 0.000000e+00 : f32
    %max3A_48 = vector.broadcast %max3A_47 : f32 to vector<512x128xf32>
    %max3A_49 = arith.maximumf %div3A_46, %max3A_48 : vector<512x128xf32>
    %swap3A = arith.constant 0 : index
    %swap3A_50 = arith.constant 0 : index
    %swap3A_51 = vector.load %arg7[%swap3A, %swap3A_50] : memref<512x128xf32, #tpu.memory_space<vmem>>, vector<512x128xf32>
    tpu.vector_store %arg7[%swap3A, %swap3A_50], %max3A_49 {strides = array<i32>} : memref<512x128xf32, #tpu.memory_space<vmem>>, vector<512x128xf32>,
    return
  }
  func.func @transform_0(%arg0: i32) -> (i32, i32, i32) {
    %c0_i32 = arith.constant 0 : i32
    %c0_i32_0 = arith.constant 0 : i32
    %c0_i32_1 = arith.constant 0 : i32
    return %c0_i32, %arg0, %c0_i32_0 : i32, i32, i32
  }
  func.func @transform_1(%arg0: i32) -> (i32, i32, i32) {
    %c0_i32 = arith.constant 0 : i32
    %c0_i32_0 = arith.constant 0 : i32
    %c0_i32_1 = arith.constant 0 : i32
    return %c0_i32, %arg0, %c0_i32_0 : i32, i32, i32
  }
  func.func @transform_2(%arg0: i32) -> (i32, i32) {
    %c0_i32 = arith.constant 0 : i32
    %c0_i32_0 = arith.constant 0 : i32
    return %arg0, %c0_i32 : i32, i32
  }
  func.func @transform_3(%arg0: i32) -> (i32, i32) {
    %c0_i32 = arith.constant 0 : i32
    %c0_i32_0 = arith.constant 0 : i32
    %c0_i32_1 = arith.constant 0 : i32
    return %c0_i32, %c0_i32_0 : i32, i32
  }
  func.func @transform_4(%arg0: i32) -> (i32, i32) {
    %c0_i32 = arith.constant 0 : i32
    %c0_i32_0 = arith.constant 0 : i32
    %c0_i32_1 = arith.constant 0 : i32
    return %c0_i32, %c0_i32_0 : i32, i32
  }
  func.func @transform_5(%arg0: i32) -> (i32, i32) {
    %c0_i32 = arith.constant 0 : i32
    %c0_i32_0 = arith.constant 0 : i32
    %c0_i32_1 = arith.constant 0 : i32
    return %c0_i32, %c0_i32_0 : i32, i32
  }
  func.func @transform_6(%arg0: i32) -> (i32, i32) {
    %c0_i32 = arith.constant 0 : i32
    %c0_i32_0 = arith.constant 0 : i32
    return %arg0, %c0_i32 : i32, i32
  }
}

module attributes {stable_mosaic.version = 14 : i64} {
  func.func @_sage_tc2_body(%arg0: i32, %arg1: memref<2x512x128xf32, #tpu.memory_space<vmem>>, %arg2: memref<2x512x16xf32, #tpu.memory_space<vmem>>, %arg3: memref<512x128xf32, #tpu.memory_space<vmem>>, %arg4: memref<128x128xf32, #tpu.memory_space<vmem>>, %arg5: memref<1x128xf32, #tpu.memory_space<vmem>>, %arg6: memref<128x128xf32, #tpu.memory_space<vmem>>, %arg7: memref<128x128xf32, #tpu.memory_space<vmem>>, %arg8: memref<1x128xf32, #tpu.memory_space<vmem>>, %arg9: memref<512x128xf32, #tpu.memory_space<vmem>>) attributes {dimension_semantics = [#tpu.dimension_semantics<arbitrary>], iteration_bounds = array<i64: 20>, scalar_prefetch = 0 : i64, scratch_operands = 0 : i64, tpu.core_type = #tpu.core_type<tc>, window_params = [{transform_indices = @transform_0, window_bounds = array<i64: 2, 512, 128>}, {transform_indices = @transform_1, window_bounds = array<i64: 2, 512, 16>}, {transform_indices = @transform_2, window_bounds = array<i64: 512, 128>}, {pipeline_mode = #tpu.pipeline_mode<synchronous>, transform_indices = @transform_3, window_bounds = array<i64: 128, 128>}, {pipeline_mode = #tpu.pipeline_mode<synchronous>, transform_indices = @transform_4, window_bounds = array<i64: 1, 128>}, {pipeline_mode = #tpu.pipeline_mode<synchronous>, transform_indices = @transform_5, window_bounds = array<i64: 128, 128>}, {pipeline_mode = #tpu.pipeline_mode<synchronous>, transform_indices = @transform_6, window_bounds = array<i64: 128, 128>}, {pipeline_mode = #tpu.pipeline_mode<synchronous>, transform_indices = @transform_7, window_bounds = array<i64: 1, 128>}, {transform_indices = @transform_8, window_bounds = array<i64: 512, 128>}]} {
    %get3A = arith.constant 0 : index
    %get3A_0 = arith.constant 0 : index
    %get3A_1 = arith.constant 0 : index
    %get3A_2 = vector.load %arg1[%get3A, %get3A_0, %get3A_1] : memref<2x512x128xf32, #tpu.memory_space<vmem>>, vector<1x512x128xf32>
    %get3A_3 = vector.shape_cast %get3A_2 : vector<1x512x128xf32> to vector<512x128xf32>
    %get3A_4 = arith.constant 1 : index
    %get3A_5 = arith.constant 0 : index
    %get3A_6 = arith.constant 0 : index
    %get3A_7 = vector.load %arg1[%get3A_4, %get3A_5, %get3A_6] : memref<2x512x128xf32, #tpu.memory_space<vmem>>, vector<1x512x128xf32>
    %get3A_8 = vector.shape_cast %get3A_7 : vector<1x512x128xf32> to vector<512x128xf32>
    %add3A = arith.addf %get3A_3, %get3A_8 : vector<512x128xf32>
    %get3A_9 = arith.constant 0 : index
    %get3A_10 = arith.constant 0 : index
    %get3A_11 = arith.constant 0 : index
    %get3A_12 = vector.load %arg2[%get3A_9, %get3A_10, %get3A_11] : memref<2x512x16xf32, #tpu.memory_space<vmem>>, vector<1x512x1xf32>
    %get3A_13 = vector.shape_cast %get3A_12 : vector<1x512x1xf32> to vector<512x1xf32>
    %get3A_14 = arith.constant 1 : index
    %get3A_15 = arith.constant 0 : index
    %get3A_16 = arith.constant 0 : index
    %get3A_17 = vector.load %arg2[%get3A_14, %get3A_15, %get3A_16] : memref<2x512x16xf32, #tpu.memory_space<vmem>>, vector<1x512x1xf32>
    %get3A_18 = vector.shape_cast %get3A_17 : vector<1x512x1xf32> to vector<512x1xf32>
    %add3A_19 = arith.addf %get3A_13, %get3A_18 : vector<512x1xf32>
    %max3A = arith.constant 1.000000e+00 : f32
    %max3A_20 = vector.broadcast %max3A : f32 to vector<512x1xf32>
    %max3A_21 = arith.maximumf %add3A_19, %max3A_20 : vector<512x1xf32>
    %div3A = vector.broadcast %max3A_21 : vector<512x1xf32> to vector<512x128xf32>
    %div3A_22 = arith.divf %add3A, %div3A : vector<512x128xf32>
    %get3A_23 = arith.constant 0 : index
    %get3A_24 = arith.constant 0 : index
    %get3A_25 = vector.load %arg4[%get3A_23, %get3A_24] : memref<128x128xf32, #tpu.memory_space<vmem>>, vector<128x128xf32>
    %dot_general3A = arith.constant dense<0.000000e+00> : vector<512x128xf32>
    %dot_general3A_26 = tpu.matmul %div3A_22, %get3A_25, %dot_general3A {dimension_numbers = #tpu.dot_dimension_numbers<[1], [0], [0], [1], [0, 0, 1, 1], [], []>, transpose_lhs_hint = false} : vector<512x128xf32>, vector<128x128xf32>, vector<512x128xf32> -> vector<512x128xf32>
    %get3A_27 = arith.constant 0 : index
    %get3A_28 = arith.constant 0 : index
    %get3A_29 = vector.load %arg5[%get3A_27, %get3A_28] : memref<1x128xf32, #tpu.memory_space<vmem>>, vector<1x128xf32>
    %add3A_30 = vector.broadcast %get3A_29 : vector<1x128xf32> to vector<512x128xf32>
    %add3A_31 = arith.addf %dot_general3A_26, %add3A_30 : vector<512x128xf32>
    %get3A_32 = arith.constant 0 : index
    %get3A_33 = arith.constant 0 : index
    %get3A_34 = vector.load %arg3[%get3A_32, %get3A_33] : memref<512x128xf32, #tpu.memory_space<vmem>>, vector<512x128xf32>
    %get3A_35 = arith.constant 0 : index
    %get3A_36 = arith.constant 0 : index
    %get3A_37 = vector.load %arg6[%get3A_35, %get3A_36] : memref<128x128xf32, #tpu.memory_space<vmem>>, vector<128x128xf32>
    %dot_general3A_38 = arith.constant dense<0.000000e+00> : vector<512x128xf32>
    %dot_general3A_39 = tpu.matmul %get3A_34, %get3A_37, %dot_general3A_38 {dimension_numbers = #tpu.dot_dimension_numbers<[1], [0], [0], [1], [0, 0, 1, 1], [], []>, transpose_lhs_hint = false} : vector<512x128xf32>, vector<128x128xf32>, vector<512x128xf32> -> vector<512x128xf32>
    %add3A_40 = arith.addf %add3A_31, %dot_general3A_39 : vector<512x128xf32>
    %mul3A = arith.mulf %add3A_40, %add3A_40 : vector<512x128xf32>
    %reduce_sum3A = arith.constant dense<0.000000e+00> : vector<512xf32>
    %reduce_sum3A_41 = vector.multi_reduction <add>, %mul3A, %reduce_sum3A [1] : vector<512x128xf32> to vector<512xf32>
    %broadcast_in_dim3A = vector.shape_cast %reduce_sum3A_41 : vector<512xf32> to vector<512x1xf32>
    %sqrt3A = math.sqrt %broadcast_in_dim3A : vector<512x1xf32>
    %max3A_42 = arith.constant 9.99999996E-13 : f32
    %max3A_43 = vector.broadcast %max3A_42 : f32 to vector<512x1xf32>
    %max3A_44 = arith.maximumf %sqrt3A, %max3A_43 : vector<512x1xf32>
    %div3A_45 = vector.broadcast %max3A_44 : vector<512x1xf32> to vector<512x128xf32>
    %div3A_46 = arith.divf %add3A_40, %div3A_45 : vector<512x128xf32>
    %max3A_47 = arith.constant 0.000000e+00 : f32
    %max3A_48 = vector.broadcast %max3A_47 : f32 to vector<512x128xf32>
    %max3A_49 = arith.maximumf %div3A_46, %max3A_48 : vector<512x128xf32>
    %get3A_50 = arith.constant 0 : index
    %get3A_51 = arith.constant 0 : index
    %get3A_52 = vector.load %arg7[%get3A_50, %get3A_51] : memref<128x128xf32, #tpu.memory_space<vmem>>, vector<128x128xf32>
    %dot_general3A_53 = arith.constant dense<0.000000e+00> : vector<512x128xf32>
    %dot_general3A_54 = tpu.matmul %max3A_49, %get3A_52, %dot_general3A_53 {dimension_numbers = #tpu.dot_dimension_numbers<[1], [0], [0], [1], [0, 0, 1, 1], [], []>, transpose_lhs_hint = false} : vector<512x128xf32>, vector<128x128xf32>, vector<512x128xf32> -> vector<512x128xf32>
    %get3A_55 = arith.constant 0 : index
    %get3A_56 = arith.constant 0 : index
    %get3A_57 = vector.load %arg8[%get3A_55, %get3A_56] : memref<1x128xf32, #tpu.memory_space<vmem>>, vector<1x128xf32>
    %add3A_58 = vector.broadcast %get3A_57 : vector<1x128xf32> to vector<512x128xf32>
    %add3A_59 = arith.addf %dot_general3A_54, %add3A_58 : vector<512x128xf32>
    %swap3A = arith.constant 0 : index
    %swap3A_60 = arith.constant 0 : index
    %swap3A_61 = vector.load %arg9[%swap3A, %swap3A_60] : memref<512x128xf32, #tpu.memory_space<vmem>>, vector<512x128xf32>
    tpu.vector_store %arg9[%swap3A, %swap3A_60], %add3A_59 {strides = array<i32>} : memref<512x128xf32, #tpu.memory_space<vmem>>, vector<512x128xf32>,
    return
  }
  func.func @transform_0(%arg0: i32) -> (i32, i32, i32) {
    %c0_i32 = arith.constant 0 : i32
    %c0_i32_0 = arith.constant 0 : i32
    %c0_i32_1 = arith.constant 0 : i32
    return %c0_i32, %arg0, %c0_i32_0 : i32, i32, i32
  }
  func.func @transform_1(%arg0: i32) -> (i32, i32, i32) {
    %c0_i32 = arith.constant 0 : i32
    %c0_i32_0 = arith.constant 0 : i32
    %c0_i32_1 = arith.constant 0 : i32
    return %c0_i32, %arg0, %c0_i32_0 : i32, i32, i32
  }
  func.func @transform_2(%arg0: i32) -> (i32, i32) {
    %c0_i32 = arith.constant 0 : i32
    %c0_i32_0 = arith.constant 0 : i32
    return %arg0, %c0_i32 : i32, i32
  }
  func.func @transform_3(%arg0: i32) -> (i32, i32) {
    %c0_i32 = arith.constant 0 : i32
    %c0_i32_0 = arith.constant 0 : i32
    %c0_i32_1 = arith.constant 0 : i32
    return %c0_i32, %c0_i32_0 : i32, i32
  }
  func.func @transform_4(%arg0: i32) -> (i32, i32) {
    %c0_i32 = arith.constant 0 : i32
    %c0_i32_0 = arith.constant 0 : i32
    %c0_i32_1 = arith.constant 0 : i32
    return %c0_i32, %c0_i32_0 : i32, i32
  }
  func.func @transform_5(%arg0: i32) -> (i32, i32) {
    %c0_i32 = arith.constant 0 : i32
    %c0_i32_0 = arith.constant 0 : i32
    %c0_i32_1 = arith.constant 0 : i32
    return %c0_i32, %c0_i32_0 : i32, i32
  }
  func.func @transform_6(%arg0: i32) -> (i32, i32) {
    %c0_i32 = arith.constant 0 : i32
    %c0_i32_0 = arith.constant 0 : i32
    %c0_i32_1 = arith.constant 0 : i32
    return %c0_i32, %c0_i32_0 : i32, i32
  }
  func.func @transform_7(%arg0: i32) -> (i32, i32) {
    %c0_i32 = arith.constant 0 : i32
    %c0_i32_0 = arith.constant 0 : i32
    %c0_i32_1 = arith.constant 0 : i32
    return %c0_i32, %c0_i32_0 : i32, i32
  }
  func.func @transform_8(%arg0: i32) -> (i32, i32) {
    %c0_i32 = arith.constant 0 : i32
    %c0_i32_0 = arith.constant 0 : i32
    return %arg0, %c0_i32 : i32, i32
  }
}

</mosaic_0001>

<sc_bundles>
// kernel: sage_agg.4.cloned.1.call-start
scs
__scs_entry_jumppad:
0x0: {  	(pc) =	sbr.rel $0x88, $3  }
0x1: {  	(tag) =	ssettag $0x0;
	lr =	simm.s32 $0x1  }
0x2: {  	[smem:$0x3F97] =	sst lr;
	_ =	strace $0xD0000000  }
0x3: {  	_ = 	snop  }
0x4: {  	_ = 	snop  }
0x5: {  	_ = 	snop  }
0x6: {  	_ = 	snop  }
0x7: {  	_ = 	snop  }
__scs_overlays_trampoline_lowered:
0x8: {  	[smem:$0x3FA6] =	sst s0  }
0x9: {  	[smem:$0x3FA7] =	sst s1  }
0xa: {  	[smem:$0x3FA8] =	sst s2  }
0xb: {  	[smem:$0x3FA9] =	sst s3  }
0xc: {  	[smem:$0x3FAA] =	sst s4  }
0xd: {  	[smem:$0x3FAB] =	sst s5  }
0xe: {  	[smem:$0x3FAC] =	sst s6  }
0xf: {  	[smem:$0x3FAD] =	sst s7  }
0x10: {  	[smem:$0x3FAE] =	sst s8  }
0x11: {  	[smem:$0x3FAF] =	sst s9;
	s0 =	simm.s32 @!p0 $0x0  }
0x12: {  	s1 =	sld [smem:$0x3F95];
	s0 =	simm.s32 @p0 $0x1  }
0x13: {  	[smem:$0x3FB0] =	sst s0;
	s0 =	simm.s32 @!p1 $0x0  }
0x14: {  	s2 =	sld [smem:$0x3F94];
	s0 =	simm.s32 @p1 $0x1  }
0x15: {  	[smem:$0x3FB1] =	sst s0;
	s0 =	simm.s32 @!p2 $0x0  }
0x16: {  	s3 =	sld [smem:$0x3FDB];
	s0 =	simm.s32 @p2 $0x1  }
0x17: {  	s4 =	simm.s32 $0x1BF5;
	[smem:$0x3FB3] =	sst s0  }
0x18: {  	s0 =	sld [smem:$0x3F96];
	_ =	swait.ge [sflag:s4], $0x0  }
0x19: {  	s7 =	sld [smem:$0x3F97]  }
0x1a: {  	s8 =	sadd.s32 $0xFFFFE003, lr  }
0x1b: {  	s9 =	sadd.s32 $0xFFFFFEF7, lr;
	s5 =	simm.s32 $0xFFFFFFFF;
	p2 =	slt.u32 s8, $0xFFFFF086  }
0x1c: {  	p1 =	slt.u32 s9, $0xF7A;
	s5 =	simm.s32 @!p2 $0x0  }
0x1d: {  	s5 =	simm.s32 @p1 $0x1;
	p0 =	seq.s32 s7, s2  }
0x1e: {  	s7 =	smul.u32 @!p0 $0xF7A, s2;
	p2 =	seq.s32 @!p0 s5, $0x0  }
0x1f: {  	s9 =	smul.u32 $0xF7A, s1;
	s8 =	simm.s32 @!p0 $0x1BF5;
	p2 =	por !p2, p0  }
0x20: {  	[sflag:s8] =	ssyncset.s32 @!p0 $0xFFFFF086;
	s6 =	sadd.s32 @!p0 s3, s7;
	s7 =	simm.s32 @!p0 $0x108  }
0x21: {  	s3 =	sadd.s32 s3, s9;
	s6 =	sadd.s32 @!p0 $0x88, s6;
	s7 =	simm.s32 @p2 $0x1082  }
0x22: {  	[simem:s7], [sflag:s8] =	dma.local @!p0 [hbm:s6], $0xF7A  }
0x23: {  	s9 =	sor.u32 $0xD0000000, s2;
	s6 =	simm.s32 $0x108;
	_ =	swait.ge @!p0 [sflag:s8], $0x0  }
0x24: {  	s3 =	sadd.s32 $0x88, s3;
	s6 =	simm.s32 @!p1 $0x1082;
	[sflag:s4] =	ssyncset.s32 $0xFFFFF086  }
0x25: {  	[simem:s6], [sflag:s4] =	dma.local [hbm:s3], $0xF7A  }
0x26: {  	[smem:$0x3F97] =	sst s1;
	(tag) =	ssettag s2;
	_ =	strace s9  }
0x27: {  	s1 =	sld [smem:$0x3FA7]  }
0x28: {  	s2 =	sld [smem:$0x3FA8]  }
0x29: {  	s4 =	sld [smem:$0x3FAA]  }
0x2a: {  	p0 =	seq.s32 s5, $0x0;
	s5 =	sld [smem:$0x3FAB]  }
0x2b: {  	s6 =	sld [smem:$0x3FAC]  }
0x2c: {  	s7 =	sld [smem:$0x3FAD]  }
0x2d: {  	s3 =	simm.s32 $0x108;
	s8 =	sld [smem:$0x3FAE]  }
0x2e: {  	s3 =	simm.s32 @!p0 $0x1082;
	s9 =	sld [smem:$0x3FAF]  }
0x2f: {  	lr =	sadd.s32 s0, s3;
	s0 =	sld [smem:$0x3FA6]  }
0x30: {  	s3 =	sld [smem:$0x3FA9]  }
0x31: {  	[smem:$0x3FB2] =	sst s10  }
0x32: {  	s10 =	sld [smem:$0x3FB0];
	_ =	sdelay $0x3  }
0x33: {  	p0 =	seq.s32 s10, $0x1;
	s10 =	sld [smem:$0x3FB2];
	_ =	sdelay $0x3  }
0x34: {  	[smem:$0x3FB2] =	sst s10  }
0x35: {  	s10 =	sld [smem:$0x3FB1];
	_ =	sdelay $0x3  }
0x36: {  	p1 =	seq.s32 s10, $0x1;
	s10 =	sld [smem:$0x3FB2];
	_ =	sdelay $0x3  }
0x37: {  	[smem:$0x3FB2] =	sst s10  }
0x38: {  	s10 =	sld [smem:$0x3FB3]  }
0x39: {  	_ = 	snop;
	(pc) =	sbr.ind lr, $3  }
0x3a: {  	_ = 	snop  }
0x3b: {  	_ = 	snop  }
0x3c: {  	p2 =	seq.s32 s10, $0x1;
	s10 =	sld [smem:$0x3FB2]  }
0x3d: {  	_ =	shalt  }
0x3e: {  	_ =	shalt  }
0x3f: {  	_ =	shalt  }
0x40: {  	_ =	shalt  }
0x41: {  	_ =	shalt  }
0x42: {  	_ =	shalt  }
0x43: {  	_ =	shalt  }
0x44: {  	_ =	shalt  }
0x45: {  	_ =	shalt  }
0x46: {  	_ =	shalt  }
0x47: {  	_ =	shalt  }
0x48: {  	_ =	shalt  }
0x49: {  	_ =	shalt  }
0x4a: {  	_ =	shalt  }
0x4b: {  	_ =	shalt  }
0x4c: {  	_ =	shalt  }
0x4d: {  	_ =	shalt  }
0x4e: {  	_ =	shalt  }
0x4f: {  	_ =	shalt  }
0x50: {  	_ =	shalt  }
0x51: {  	_ =	shalt  }
0x52: {  	_ =	shalt  }
0x53: {  	_ =	shalt  }
0x54: {  	_ =	shalt  }
0x55: {  	_ =	shalt  }
0x56: {  	_ =	shalt  }
0x57: {  	_ =	shalt  }
0x58: {  	_ =	shalt  }
0x59: {  	_ =	shalt  }
0x5a: {  	_ =	shalt  }
0x5b: {  	_ =	shalt  }
0x5c: {  	_ =	shalt  }
0x5d: {  	_ =	shalt  }
0x5e: {  	_ =	shalt  }
0x5f: {  	_ =	shalt  }
0x60: {  	_ =	shalt  }
0x61: {  	_ =	shalt  }
0x62: {  	_ =	shalt  }
0x63: {  	_ =	shalt  }
0x64: {  	_ =	shalt  }
0x65: {  	_ =	shalt  }
0x66: {  	_ =	shalt  }
0x67: {  	_ =	shalt  }
0x68: {  	_ =	shalt  }
0x69: {  	_ =	shalt  }
0x6a: {  	_ =	shalt  }
0x6b: {  	_ =	shalt  }
0x6c: {  	_ =	shalt  }
0x6d: {  	_ =	shalt  }
0x6e: {  	_ =	shalt  }
0x6f: {  	_ =	shalt  }
0x70: {  	_ =	shalt  }
0x71: {  	_ =	shalt  }
0x72: {  	_ =	shalt  }
0x73: {  	_ =	shalt  }
0x74: {  	_ =	shalt  }
0x75: {  	_ =	shalt  }
0x76: {  	_ =	shalt  }
0x77: {  	_ =	shalt  }
0x78: {  	_ =	shalt  }
0x79: {  	_ =	shalt  }
0x7a: {  	_ =	shalt  }
0x7b: {  	_ =	shalt  }
0x7c: {  	_ =	shalt  }
0x7d: {  	_ =	shalt  }
0x7e: {  	_ =	shalt  }
0x7f: {  	_ =	shalt  }
0x80: {  	_ =	shalt  }
0x81: {  	_ =	shalt  }
0x82: {  	_ =	shalt  }
0x83: {  	_ =	shalt  }
0x84: {  	_ =	shalt  }
0x85: {  	_ =	shalt  }
0x86: {  	_ =	shalt  }
0x87: {  	_ =	shalt  }
.Lfunc_end0:
.L_simem_size_0:
called_computation_lowered:
.L_overlay_start_0:
0x88: {  	s2 =	sld [smem:$0x3FD9]  }
0x89: {  	s3 =	sld [smem:$0x3FFE];
	_ =	sdelay $0x1  }
0x8a: {  	s1 =	srdreg.scid  }
0x8b: {  	s0 =	sand.u32 $0x1, s1  }
0x8c: {  	s17 =	sshll.u32 s0, $0xA;
	s2 =	sadd.s32 s3, s2  }
0x8d: {  	s2 =	sadd.s32 s2, s17  }
0x8e: {  	[smem:$0x3FBE] =	sst s2  }
0x8f: {  	_ = 	snop  }
0x90: {  	s2 =	sld [smem:$0x3FD0];
	(tm) =	ssettm $0x1  }
0x91: {  	s18 =	sld [smem:$0x3FFB];
	_ =	sdelay $0x3  }
0x92: {  	_ =	strace s18  }
0x93: {  	s3 =	sld [smem:$0x3FFC];
	_ =	sdelay $0x3  }
0x94: {  	_ =	strace s3  }
0x95: {  	s3 =	sld [smem:$0x3FFD];
	_ =	sdelay $0x3  }
0x96: {  	_ =	strace s3  }
0x97: {  	_ =	strace $0x8FFFFFFF  }
0x98: {  	s19 =	sld [smem:$0x3FDB];
	_ =	sdelay $0x1  }
0x99: {  	s4 =	simm.s32 $_scs_section_size  }
0x9a: {  	s5 =	simm.s32 $_size__tile_overlayer_lowered;
	s6 =	simm.s32 $_tile_overlayer_lowered  }
0x9b: {  	s22 =	simm.s32 $0x1BFF;
	s21 =	sshll.u32 s6, $0x1;
	s3 =	sadd.s32 s4, s19  }
0x9c: {  	s7 =	simm.s32 $0x0;
	s20 =	sshll.u32 s5, $0x1;
	s5 =	sadd.s32 s21, s3  }
0x9d: {  	[timem:s7], [sflag:s22] =	dma.local [hbm:s5], s20  }
0x9e: {  	_ =	swait.ge [sflag:s22], s20  }
0x9f: {  	s4 =	ssub.s32 $0x0, s20;
	[sflag:s22] =	ssyncset.done $0x0  }
0xa0: {  	[sflag:s22] =	ssyncadd.s32 s4;
	_ =	sdelay $0x1  }
0xa1: {  	s23 =	simm.s32 $0x1B8B  }
0xa2: {  	_ =	swait.ge [sflag:s23], $0x1  }
0xa3: {  	[sflag:s23] =	ssyncset.done $0x0  }
0xa4: {  	s25 =	simm.s32 $0x1B8E;
	s24 =	sld [smem:$0x3FFE];
	[sflag:s23] =	ssyncadd.s32 $0xFFFFFFFF  }
0xa5: {  	s26 =	simm.s32 $execute0_lowered;
	[smem:$0x3FD2] =	sst s25  }
0xa6: {  	s5 =	sshll.u32 s26, $0x1;
	_ =	strace $0x80000046;
	[dreg:$0x1] =	wrdreg $0xFFFFFFFF  }
0xa7: {  	s28 =	simm.s32 $_size_execute0_lowered;
	s3 =	sadd.s32 s3, s5;
	[dreg:$0x0] =	wrdreg $0x0  }
0xa8: {  	s5 =	sshll.u32 s28, $0x1;
	[dreg:$0x2] =	wrdreg s3  }
0xa9: {  	[dreg:$0x3] =	wrdreg s5  }
0xaa: {  	[dreg:$0x4] =	wrdreg $0xC0  }
0xab: {  	_ =	task [dreg:s7], $0x5FFFF  }
0xac: {  	[dreg:$0x1] =	wrdreg $0xFFFFFFFF  }
0xad: {  	[dreg:$0x0] =	wrdreg $0x60  }
0xae: {  	[dreg:$0x2] =	wrdreg s24  }
0xaf: {  	[dreg:$0x3] =	wrdreg s2  }
0xb0: {  	[dreg:$0x4] =	wrdreg $0x90000  }
0xb1: {  	[dreg:$0x5] =	wrdreg $0x9  }
0xb2: {  	_ =	task.clear_ibuf [dreg:s7], $0x6FFFF;
	_ =	strace $0x90000046  }
0xb3: {  	s29 =	simm.s32 $0x9;
	_ =	strace $0x8000004C  }
0xb4: {  	_ =	swait.ge [sflag:s29], $0x1  }
0xb5: {  	[sflag:s29] =	ssyncadd.s32 $0xFFFFFFFF  }
0xb6: {  	_ =	strace $0x9000004C  }
0xb7: {  	_ =	sfence  }
0xb8: {  	s30 =	sld [smem:$0x0];
	_ =	sdelay $0x2  }
0xb9: {  	s31 =	sshll.u32 s1, $0xD;
	s1 =	sshrl.u32 s1, $0x2  }
0xba: {  	s3 =	sand.u32 $0x4000, s31;
	s1 =	sadd.s32 s1, s30  }
0xbb: {  	s0 =	sor.u32 s3, s0;
	s1 =	sshll.u32 s1, $0x11  }
0xbc: {  	s0 =	sor.u32 s1, s0  }
0xbd: {  	s0 =	sadd.s32 $0x8F2B, s0  }
0xbe: {  	[sflag:s0] =	ssyncadd.remote.s32 $0x1  }
0xbf: {  	_ =	sfence.sel $0xFFFF  }
0xc0: {  	[dreg:$0x0] =	wrdreg $0xFFFFFFFF;
	(pc) =	sbr.abs _section_cstart, $3  }
0xc1: {  	[dreg:$0x1] =	wrdreg $0xFFFFFFFF  }
0xc2: {  	_ =	task.clear_ibuf [dreg:s7], $0x2FFFF;
	_ =	strace $0x9FFFFFFF  }
0xc3: {  	(tm) =	ssettm $0x7FFFFFFF  }
tec
execute0_lowered:
.L_overlay_start_1:
0x0: {  	(tag) =	ssettag $0x1  }
0x1: {  	s6 =	rddreg [dreg:$0x0]  }
0x2: {  	s7 =	rddreg [dreg:$0x1]  }
0x3: {  	s2 =	rddreg [dreg:$0x2]  }
0x4: {  	s0 =	rddreg [dreg:$0x3];
	s4 =	srdreg.scid  }
0x5: {  	s1 =	stileid.u32;
	s3 =	simm.s32 $0x0;
	s14 =	simm.s32 $0x80  }
0x6: {  	s15 =	simm.s32 $0x5000;
	s16 =	simm.s32 $0x1;
	s5 =	smul.u32 $0x500, s1  }
0x7: {  	s17 =	simm.s32 $0x0;
	s8 =	sand.u32 $0x1, s4;
	s11 =	smul.u32 $0x14000, s1  }
0x8: {  	[smem:$0x7FF] =	sst s3;
	s4 =	sadd.s32 $0x2800, s6;
	s29 =	smul.u32 $0x50000, s1  }
0x9: {  	s31 =	sshll.u32 s1, $0x6;
	s9 =	smul.u32 $0x140000, s8;
	p0 =	seq.s32 s8, $0x0  }
0xa: {  	_ =	strace $0x80000047;
	s8 =	ssub.s32 $0x2, s8;
	s10 =	sadd.s32 $0x5000, s5  }
0xb: {  	s30 =	sshrl.u32 s8, $0x1;
	s10 =	smov.u32 @p0 s5;
	s9 =	sadd.s32 s11, s9  }
0xc: {  	s5 =	sadd.s32 $0x34800, s6;
	s11 =	sshrl.u32 s29, $0x2;
	s13 =	ssub.s32 s8, s30  }
0xd: {  	s12 =	sadd.s32 s10, s6;
	s9 =	sshrl.u32 s9, $0x3;
	s11 =	sadd.s32 s11, s2  }
0xe: {  	s7 =	sadd.s32 s7, s10;
	s10 =	sor.u32 $0x1C02, s31;
	s9 =	sadd.s32 s9, s6  }
0xf: {  	s6 =	sadd.s32 $0x2A800, s12;
	s11 =	sshrl.u32 s11, $0x3;
	s12 =	simm.s32 $0x2  }
0x10: {  	s8 =	sadd.s32 $0x37000, s9;
	s9 =	smax.u32 s13, $0x1;
	s13 =	simm.s32 $0x2800  }
.LBB2_1:
0x11: {  	_ =	strace $0x80000048  }
0x12: {  	[spmem:s11], [sflag:s10] =	dma.local [hbm:s5], $0x2800  }
0x13: {  	_ =	swait.ge [sflag:s12], $0x2800  }
0x14: {  	[sflag:s12] =	ssyncset.done $0x0  }
0x15: {  	[sflag:s12] =	ssyncadd.s32 $0xFFFFD800  }
0x16: {  	[tilespmem:s3], [sflag:$0x2] =	stream.linear.gather [hbm4b:s6+s3], $0x2800, $0x200038;
	[tilespmem:$0x1D000] =	vst v63  }
0x17: {  	_ =	swait.ge [sflag:s12], $0x2800  }
0x18: {  	[sflag:s12] =	ssyncset.done $0x0  }
0x19: {  	[sflag:s12] =	ssyncadd.s32 $0xFFFFD800  }
0x1a: {  	[tilespmem:s13], [sflag:$0x2] =	stream.linear.gather [hbm4b:s7+s3], $0x2800, $0x200038;
	[tilespmem:$0x1D000] =	vst v63  }
0x1b: {  	_ =	swait.ge [sflag:s12], $0x2800  }
0x1c: {  	[sflag:s12] =	ssyncset.done $0x0  }
0x1d: {  	[sflag:s12] =	ssyncadd.s32 $0xFFFFD800  }
0x1e: {  	[bflag:$0x0] =	sbarrier.arrive $0xFFFF  }
0x1f: {  	_ =	strace $0x90000048  }
0x20: {  	s18 =	simm.s32 $0x0;
	_ =	strace $0x80000049  }
0x21: {  	[tilespmem:s15], [sflag:$0x1] =	stream.indirect.gather [hbm4b:s4+s14], $0x80, s18, s14, $0x2000b8;
	[tilespmem:$0x1D000] =	vst v63  }
0x22: {  	_ =	swait.ge [sflag:s16], $0x4000  }
0x23: {  	[sflag:s16] =	ssyncset.done $0x0  }
0x24: {  	s31 =	simm.s32 $0x2800;
	[sflag:s16] =	ssyncadd.s32 $0xFFFFC000  }
0x25: {  	[spmem:s2] =	stream.indirect.scatter.add.f32 [tilespmem:s15], [sflag:$0x2], $0x80, s31, s14, $0x2000b8;
	[tilespmem:$0x1D000] =	vst v63  }
0x26: {  	_ =	swait.ge [sflag:s12], $0x4000  }
0x27: {  	s19 =	simm.s32 $0x400;
	s18 =	simm.s32 $0x200;
	[sflag:s12] =	ssyncset.done $0x0  }
.LBB2_2:
0x28: {  	s20 =	sshra.s32 s18, $0x2  }
0x29: {  	[sflag:s12] =	ssyncadd.s32 $0xFFFFC000;
	s18 =	smov.u32 s19;
	s21 =	sadd.s32 $0x200, s19  }
0x2a: {  	[tilespmem:s15], [sflag:$0x1] =	stream.indirect.gather [hbm4b:s4+s14], $0x80, s20, s14, $0x2000b8;
	[tilespmem:$0x1D000] =	vst v63  }
0x2b: {  	p0 =	sne.s32 s19, $0x9E00;
	_ =	swait.ge [sflag:s16], $0x4000  }
.Ltmp0:
0x2c: {  	[sflag:s16] =	ssyncset.done $0x0;
	(pc) =	sbr.rel @p0 .LBB2_2-.Ltmp0, $4  }
0x2d: {  	s19 =	sadd.s32 $0x2800, s20;
	[sflag:s16] =	ssyncadd.s32 $0xFFFFC000  }
0x2e: {  	[spmem:s2] =	stream.indirect.scatter.add.f32 [tilespmem:s15], [sflag:$0x2], $0x80, s19, s14, $0x2000b8;
	[tilespmem:$0x1D000] =	vst v63  }
0x2f: {  	_ =	swait.ge [sflag:s12], $0x4000  }
0x30: {  	s19 =	smov.u32 s21;
	[sflag:s12] =	ssyncset.done $0x0  }
0x31: {  	s18 =	sshra.s32 s18, $0x2;
	[sflag:s12] =	ssyncadd.s32 $0xFFFFC000  }
0x32: {  	[tilespmem:s15], [sflag:$0x1] =	stream.indirect.gather [hbm4b:s4+s14], $0x80, s18, s14, $0x2000b8;
	[tilespmem:$0x1D000] =	vst v63  }
0x33: {  	_ =	swait.ge [sflag:s16], $0x4000  }
0x34: {  	[sflag:s16] =	ssyncset.done $0x0  }
0x35: {  	s18 =	sadd.s32 $0x2800, s18;
	[sflag:s16] =	ssyncadd.s32 $0xFFFFC000  }
0x36: {  	[spmem:s2] =	stream.indirect.scatter.add.f32 [tilespmem:s15], [sflag:$0x2], $0x80, s18, s14, $0x2000b8;
	[tilespmem:$0x1D000] =	vst v63  }
0x37: {  	_ =	swait.ge [sflag:s12], $0x4000  }
0x38: {  	[sflag:s12] =	ssyncset.done $0x0  }
0x39: {  	[sflag:s12] =	ssyncadd.s32 $0xFFFFC000  }
0x3a: {  	_ =	strace $0x90000049  }
0x3b: {  	_ =	strace $0x8000004A  }
0x3c: {  	[bflag:$0x0] =	sbarrier.arrive $0xFFFF  }
0x3d: {  	s17 =	sadd.s32 $0x1, s17;
	_ =	strace $0x9000004A  }
0x3e: {  	p0 =	sne.s32 s17, s9;
	_ =	strace $0x8000004B  }
0x3f: {  	[hbm:s8], [sflag:s10] =	dma.local [spmem:s11], $0x2800  }
.Ltmp1:
0x40: {  	_ = 	snop;
	(pc) =	sbr.rel @p0 .LBB2_1-.Ltmp1, $4  }
0x41: {  	_ =	swait.ge [sflag:s12], $0x2800  }
0x42: {  	[sflag:s12] =	ssyncset.done $0x0  }
0x43: {  	[sflag:s12] =	ssyncadd.s32 $0xFFFFD800  }
0x44: {  	_ =	strace $0x9000004B  }
0x45: {  	_ =	sfence.sel $0x180000  }
0x46: {  	[bflag:$0x0] =	sbarrier.arrive $0xFFFF  }
0x47: {  	p0 =	sne.s32 s1, $0x0;
	_ =	strace $0x90000047  }
0x48: {  	s0 =	sadd.s32 @!p0 $0x100000, s0;
	[bflag:$0x2] =	sbarrier.arrive $0xFFFF  }
0x49: {  	[sflag:s0] =	ssyncadd.tile.s32 @!p0 $0x1;
	_ =	shalt  }
.Lfunc_end2:
_tile_overlayer_lowered:
.L_overlay_start_2:
0x4a: {  	(tag) =	ssettag $0x2  }
0x4b: {  	s0 =	rddreg [dreg:$0x0];
	s2 =	stileid.u32  }
0x4c: {  	s1 =	rddreg [dreg:$0x1];
	p0 =	sne.s32 s2, $0x0  }
0x4d: {  	s3 =	rddreg [dreg:$0x2];
	[bflag:$0x3] =	sbarrier.arrive $0xFFFF;
	s2 =	simm.s32 @!p0 $0x1C02  }
0x4e: {  	[timem:s3], [sflag:s2] =	dma.local @!p0 [hbm:s0], s1  }
0x4f: {  	s0 =	simm.s32 @!p0 $0x2  }
0x50: {  	_ =	swait.ge @!p0 [sflag:s0], s1  }
0x51: {  	s1 =	ssub.s32 @!p0 $0x0, s1;
	[sflag:s0] =	ssyncset.done @!p0 $0x0  }
0x52: {  	[sflag:s0] =	ssyncadd.s32 @!p0 s1  }
0x53: {  	[bflag:$0x3] =	sbarrier.arrive $0xFFFF  }
0x54: {  	_ =	shalt  }

// kernel: sage_agg.7.cloned.1.call-start
scs
__scs_entry_jumppad:
0x0: {  	(pc) =	sbr.rel $0x88, $3  }
0x1: {  	(tag) =	ssettag $0x0;
	lr =	simm.s32 $0x1  }
0x2: {  	[smem:$0x3F97] =	sst lr;
	_ =	strace $0xD0000000  }
0x3: {  	_ = 	snop  }
0x4: {  	_ = 	snop  }
0x5: {  	_ = 	snop  }
0x6: {  	_ = 	snop  }
0x7: {  	_ = 	snop  }
__scs_overlays_trampoline_lowered:
0x8: {  	[smem:$0x3FA6] =	sst s0  }
0x9: {  	[smem:$0x3FA7] =	sst s1  }
0xa: {  	[smem:$0x3FA8] =	sst s2  }
0xb: {  	[smem:$0x3FA9] =	sst s3  }
0xc: {  	[smem:$0x3FAA] =	sst s4  }
0xd: {  	[smem:$0x3FAB] =	sst s5  }
0xe: {  	[smem:$0x3FAC] =	sst s6  }
0xf: {  	[smem:$0x3FAD] =	sst s7  }
0x10: {  	[smem:$0x3FAE] =	sst s8  }
0x11: {  	[smem:$0x3FAF] =	sst s9;
	s0 =	simm.s32 @!p0 $0x0  }
0x12: {  	s1 =	sld [smem:$0x3F95];
	s0 =	simm.s32 @p0 $0x1  }
0x13: {  	[smem:$0x3FB0] =	sst s0;
	s0 =	simm.s32 @!p1 $0x0  }
0x14: {  	s2 =	sld [smem:$0x3F94];
	s0 =	simm.s32 @p1 $0x1  }
0x15: {  	[smem:$0x3FB1] =	sst s0;
	s0 =	simm.s32 @!p2 $0x0  }
0x16: {  	s3 =	sld [smem:$0x3FDB];
	s0 =	simm.s32 @p2 $0x1  }
0x17: {  	s4 =	simm.s32 $0x1BF5;
	[smem:$0x3FB3] =	sst s0  }
0x18: {  	s0 =	sld [smem:$0x3F96];
	_ =	swait.ge [sflag:s4], $0x0  }
0x19: {  	s7 =	sld [smem:$0x3F97]  }
0x1a: {  	s8 =	sadd.s32 $0xFFFFE003, lr  }
0x1b: {  	s9 =	sadd.s32 $0xFFFFFEF7, lr;
	s5 =	simm.s32 $0xFFFFFFFF;
	p2 =	slt.u32 s8, $0xFFFFF086  }
0x1c: {  	p1 =	slt.u32 s9, $0xF7A;
	s5 =	simm.s32 @!p2 $0x0  }
0x1d: {  	s5 =	simm.s32 @p1 $0x1;
	p0 =	seq.s32 s7, s2  }
0x1e: {  	s7 =	smul.u32 @!p0 $0xF7A, s2;
	p2 =	seq.s32 @!p0 s5, $0x0  }
0x1f: {  	s9 =	smul.u32 $0xF7A, s1;
	s8 =	simm.s32 @!p0 $0x1BF5;
	p2 =	por !p2, p0  }
0x20: {  	[sflag:s8] =	ssyncset.s32 @!p0 $0xFFFFF086;
	s6 =	sadd.s32 @!p0 s3, s7;
	s7 =	simm.s32 @!p0 $0x108  }
0x21: {  	s3 =	sadd.s32 s3, s9;
	s6 =	sadd.s32 @!p0 $0x88, s6;
	s7 =	simm.s32 @p2 $0x1082  }
0x22: {  	[simem:s7], [sflag:s8] =	dma.local @!p0 [hbm:s6], $0xF7A  }
0x23: {  	s9 =	sor.u32 $0xD0000000, s2;
	s6 =	simm.s32 $0x108;
	_ =	swait.ge @!p0 [sflag:s8], $0x0  }
0x24: {  	s3 =	sadd.s32 $0x88, s3;
	s6 =	simm.s32 @!p1 $0x1082;
	[sflag:s4] =	ssyncset.s32 $0xFFFFF086  }
0x25: {  	[simem:s6], [sflag:s4] =	dma.local [hbm:s3], $0xF7A  }
0x26: {  	[smem:$0x3F97] =	sst s1;
	(tag) =	ssettag s2;
	_ =	strace s9  }
0x27: {  	s1 =	sld [smem:$0x3FA7]  }
0x28: {  	s2 =	sld [smem:$0x3FA8]  }
0x29: {  	s4 =	sld [smem:$0x3FAA]  }
0x2a: {  	p0 =	seq.s32 s5, $0x0;
	s5 =	sld [smem:$0x3FAB]  }
0x2b: {  	s6 =	sld [smem:$0x3FAC]  }
0x2c: {  	s7 =	sld [smem:$0x3FAD]  }
0x2d: {  	s3 =	simm.s32 $0x108;
	s8 =	sld [smem:$0x3FAE]  }
0x2e: {  	s3 =	simm.s32 @!p0 $0x1082;
	s9 =	sld [smem:$0x3FAF]  }
0x2f: {  	lr =	sadd.s32 s0, s3;
	s0 =	sld [smem:$0x3FA6]  }
0x30: {  	s3 =	sld [smem:$0x3FA9]  }
0x31: {  	[smem:$0x3FB2] =	sst s10  }
0x32: {  	s10 =	sld [smem:$0x3FB0];
	_ =	sdelay $0x3  }
0x33: {  	p0 =	seq.s32 s10, $0x1;
	s10 =	sld [smem:$0x3FB2];
	_ =	sdelay $0x3  }
0x34: {  	[smem:$0x3FB2] =	sst s10  }
0x35: {  	s10 =	sld [smem:$0x3FB1];
	_ =	sdelay $0x3  }
0x36: {  	p1 =	seq.s32 s10, $0x1;
	s10 =	sld [smem:$0x3FB2];
	_ =	sdelay $0x3  }
0x37: {  	[smem:$0x3FB2] =	sst s10  }
0x38: {  	s10 =	sld [smem:$0x3FB3]  }
0x39: {  	_ = 	snop;
	(pc) =	sbr.ind lr, $3  }
0x3a: {  	_ = 	snop  }
0x3b: {  	_ = 	snop  }
0x3c: {  	p2 =	seq.s32 s10, $0x1;
	s10 =	sld [smem:$0x3FB2]  }
0x3d: {  	_ =	shalt  }
0x3e: {  	_ =	shalt  }
0x3f: {  	_ =	shalt  }
0x40: {  	_ =	shalt  }
0x41: {  	_ =	shalt  }
0x42: {  	_ =	shalt  }
0x43: {  	_ =	shalt  }
0x44: {  	_ =	shalt  }
0x45: {  	_ =	shalt  }
0x46: {  	_ =	shalt  }
0x47: {  	_ =	shalt  }
0x48: {  	_ =	shalt  }
0x49: {  	_ =	shalt  }
0x4a: {  	_ =	shalt  }
0x4b: {  	_ =	shalt  }
0x4c: {  	_ =	shalt  }
0x4d: {  	_ =	shalt  }
0x4e: {  	_ =	shalt  }
0x4f: {  	_ =	shalt  }
0x50: {  	_ =	shalt  }
0x51: {  	_ =	shalt  }
0x52: {  	_ =	shalt  }
0x53: {  	_ =	shalt  }
0x54: {  	_ =	shalt  }
0x55: {  	_ =	shalt  }
0x56: {  	_ =	shalt  }
0x57: {  	_ =	shalt  }
0x58: {  	_ =	shalt  }
0x59: {  	_ =	shalt  }
0x5a: {  	_ =	shalt  }
0x5b: {  	_ =	shalt  }
0x5c: {  	_ =	shalt  }
0x5d: {  	_ =	shalt  }
0x5e: {  	_ =	shalt  }
0x5f: {  	_ =	shalt  }
0x60: {  	_ =	shalt  }
0x61: {  	_ =	shalt  }
0x62: {  	_ =	shalt  }
0x63: {  	_ =	shalt  }
0x64: {  	_ =	shalt  }
0x65: {  	_ =	shalt  }
0x66: {  	_ =	shalt  }
0x67: {  	_ =	shalt  }
0x68: {  	_ =	shalt  }
0x69: {  	_ =	shalt  }
0x6a: {  	_ =	shalt  }
0x6b: {  	_ =	shalt  }
0x6c: {  	_ =	shalt  }
0x6d: {  	_ =	shalt  }
0x6e: {  	_ =	shalt  }
0x6f: {  	_ =	shalt  }
0x70: {  	_ =	shalt  }
0x71: {  	_ =	shalt  }
0x72: {  	_ =	shalt  }
0x73: {  	_ =	shalt  }
0x74: {  	_ =	shalt  }
0x75: {  	_ =	shalt  }
0x76: {  	_ =	shalt  }
0x77: {  	_ =	shalt  }
0x78: {  	_ =	shalt  }
0x79: {  	_ =	shalt  }
0x7a: {  	_ =	shalt  }
0x7b: {  	_ =	shalt  }
0x7c: {  	_ =	shalt  }
0x7d: {  	_ =	shalt  }
0x7e: {  	_ =	shalt  }
0x7f: {  	_ =	shalt  }
0x80: {  	_ =	shalt  }
0x81: {  	_ =	shalt  }
0x82: {  	_ =	shalt  }
0x83: {  	_ =	shalt  }
0x84: {  	_ =	shalt  }
0x85: {  	_ =	shalt  }
0x86: {  	_ =	shalt  }
0x87: {  	_ =	shalt  }
.Lfunc_end0:
.L_simem_size_0:
called_computation.2_lowered:
.L_overlay_start_0:
0x88: {  	s2 =	sld [smem:$0x3FD9]  }
0x89: {  	s3 =	sld [smem:$0x3FFE];
	_ =	sdelay $0x1  }
0x8a: {  	s1 =	srdreg.scid  }
0x8b: {  	s0 =	sand.u32 $0x1, s1  }
0x8c: {  	s17 =	sshll.u32 s0, $0xA;
	s2 =	sadd.s32 s3, s2  }
0x8d: {  	s2 =	sadd.s32 s2, s17  }
0x8e: {  	[smem:$0x3FBE] =	sst s2  }
0x8f: {  	_ = 	snop  }
0x90: {  	s2 =	sld [smem:$0x3FD0];
	(tm) =	ssettm $0x1  }
0x91: {  	s18 =	sld [smem:$0x3FFB];
	_ =	sdelay $0x3  }
0x92: {  	_ =	strace s18  }
0x93: {  	s3 =	sld [smem:$0x3FFC];
	_ =	sdelay $0x3  }
0x94: {  	_ =	strace s3  }
0x95: {  	s3 =	sld [smem:$0x3FFD];
	_ =	sdelay $0x3  }
0x96: {  	_ =	strace s3  }
0x97: {  	_ =	strace $0x8FFFFFFF  }
0x98: {  	s19 =	sld [smem:$0x3FDB];
	_ =	sdelay $0x1  }
0x99: {  	s4 =	simm.s32 $_scs_section_size  }
0x9a: {  	s5 =	simm.s32 $_size__tile_overlayer_lowered;
	s6 =	simm.s32 $_tile_overlayer_lowered  }
0x9b: {  	s22 =	simm.s32 $0x1BFF;
	s21 =	sshll.u32 s6, $0x1;
	s3 =	sadd.s32 s4, s19  }
0x9c: {  	s7 =	simm.s32 $0x0;
	s20 =	sshll.u32 s5, $0x1;
	s5 =	sadd.s32 s21, s3  }
0x9d: {  	[timem:s7], [sflag:s22] =	dma.local [hbm:s5], s20  }
0x9e: {  	_ =	swait.ge [sflag:s22], s20  }
0x9f: {  	s4 =	ssub.s32 $0x0, s20;
	[sflag:s22] =	ssyncset.done $0x0  }
0xa0: {  	[sflag:s22] =	ssyncadd.s32 s4;
	_ =	sdelay $0x1  }
0xa1: {  	s23 =	simm.s32 $0x1B8B  }
0xa2: {  	_ =	swait.ge [sflag:s23], $0x1  }
0xa3: {  	[sflag:s23] =	ssyncset.done $0x0  }
0xa4: {  	s25 =	simm.s32 $0x1B8E;
	s24 =	sld [smem:$0x3FFE];
	[sflag:s23] =	ssyncadd.s32 $0xFFFFFFFF  }
0xa5: {  	s26 =	simm.s32 $execute0_lowered;
	[smem:$0x3FD2] =	sst s25  }
0xa6: {  	s5 =	sshll.u32 s26, $0x1;
	_ =	strace $0x80000050;
	[dreg:$0x1] =	wrdreg $0xFFFFFFFF  }
0xa7: {  	s28 =	simm.s32 $_size_execute0_lowered;
	s3 =	sadd.s32 s3, s5;
	[dreg:$0x0] =	wrdreg $0x0  }
0xa8: {  	s5 =	sshll.u32 s28, $0x1;
	[dreg:$0x2] =	wrdreg s3  }
0xa9: {  	[dreg:$0x3] =	wrdreg s5  }
0xaa: {  	[dreg:$0x4] =	wrdreg $0xC0  }
0xab: {  	_ =	task [dreg:s7], $0x5FFFF  }
0xac: {  	[dreg:$0x1] =	wrdreg $0xFFFFFFFF  }
0xad: {  	[dreg:$0x0] =	wrdreg $0x60  }
0xae: {  	[dreg:$0x2] =	wrdreg s24  }
0xaf: {  	[dreg:$0x3] =	wrdreg s2  }
0xb0: {  	[dreg:$0x4] =	wrdreg $0x90000  }
0xb1: {  	[dreg:$0x5] =	wrdreg $0x9  }
0xb2: {  	_ =	task.clear_ibuf [dreg:s7], $0x6FFFF;
	_ =	strace $0x90000050  }
0xb3: {  	s29 =	simm.s32 $0x9;
	_ =	strace $0x80000056  }
0xb4: {  	_ =	swait.ge [sflag:s29], $0x1  }
0xb5: {  	[sflag:s29] =	ssyncadd.s32 $0xFFFFFFFF  }
0xb6: {  	_ =	strace $0x90000056  }
0xb7: {  	_ =	sfence  }
0xb8: {  	s30 =	sld [smem:$0x0];
	_ =	sdelay $0x2  }
0xb9: {  	s31 =	sshll.u32 s1, $0xD;
	s1 =	sshrl.u32 s1, $0x2  }
0xba: {  	s3 =	sand.u32 $0x4000, s31;
	s1 =	sadd.s32 s1, s30  }
0xbb: {  	s0 =	sor.u32 s3, s0;
	s1 =	sshll.u32 s1, $0x11  }
0xbc: {  	s0 =	sor.u32 s1, s0  }
0xbd: {  	s0 =	sadd.s32 $0x8F2B, s0  }
0xbe: {  	[sflag:s0] =	ssyncadd.remote.s32 $0x1  }
0xbf: {  	_ =	sfence.sel $0xFFFF  }
0xc0: {  	[dreg:$0x0] =	wrdreg $0xFFFFFFFF;
	(pc) =	sbr.abs _section_cstart, $3  }
0xc1: {  	[dreg:$0x1] =	wrdreg $0xFFFFFFFF  }
0xc2: {  	_ =	task.clear_ibuf [dreg:s7], $0x2FFFF;
	_ =	strace $0x9FFFFFFF  }
0xc3: {  	(tm) =	ssettm $0x7FFFFFFF  }
tec
execute0_lowered:
.L_overlay_start_1:
0x0: {  	(tag) =	ssettag $0x1  }
0x1: {  	s6 =	rddreg [dreg:$0x0]  }
0x2: {  	s7 =	rddreg [dreg:$0x1]  }
0x3: {  	s2 =	rddreg [dreg:$0x2]  }
0x4: {  	s0 =	rddreg [dreg:$0x3];
	s4 =	srdreg.scid  }
0x5: {  	s1 =	stileid.u32;
	s3 =	simm.s32 $0x0;
	s14 =	simm.s32 $0x80  }
0x6: {  	s15 =	simm.s32 $0x5000;
	s16 =	simm.s32 $0x1;
	s5 =	smul.u32 $0x500, s1  }
0x7: {  	s17 =	simm.s32 $0x0;
	s8 =	sand.u32 $0x1, s4;
	s11 =	smul.u32 $0x14000, s1  }
0x8: {  	[smem:$0x7FF] =	sst s3;
	s4 =	sadd.s32 $0x2800, s6;
	s29 =	smul.u32 $0x50000, s1  }
0x9: {  	s31 =	sshll.u32 s1, $0x6;
	s9 =	smul.u32 $0x140000, s8;
	p0 =	seq.s32 s8, $0x0  }
0xa: {  	_ =	strace $0x80000051;
	s8 =	ssub.s32 $0x2, s8;
	s10 =	sadd.s32 $0x5000, s5  }
0xb: {  	s30 =	sshrl.u32 s8, $0x1;
	s10 =	smov.u32 @p0 s5;
	s9 =	sadd.s32 s11, s9  }
0xc: {  	s5 =	sadd.s32 $0x34800, s6;
	s11 =	sshrl.u32 s29, $0x2;
	s13 =	ssub.s32 s8, s30  }
0xd: {  	s12 =	sadd.s32 s10, s6;
	s9 =	sshrl.u32 s9, $0x3;
	s11 =	sadd.s32 s11, s2  }
0xe: {  	s7 =	sadd.s32 s7, s10;
	s10 =	sor.u32 $0x1C02, s31;
	s9 =	sadd.s32 s9, s6  }
0xf: {  	s6 =	sadd.s32 $0x2A800, s12;
	s11 =	sshrl.u32 s11, $0x3;
	s12 =	simm.s32 $0x2  }
0x10: {  	s8 =	sadd.s32 $0x37000, s9;
	s9 =	smax.u32 s13, $0x1;
	s13 =	simm.s32 $0x2800  }
.LBB2_1:
0x11: {  	_ =	strace $0x80000052  }
0x12: {  	[spmem:s11], [sflag:s10] =	dma.local [hbm:s5], $0x2800  }
0x13: {  	_ =	swait.ge [sflag:s12], $0x2800  }
0x14: {  	[sflag:s12] =	ssyncset.done $0x0  }
0x15: {  	[sflag:s12] =	ssyncadd.s32 $0xFFFFD800  }
0x16: {  	[tilespmem:s3], [sflag:$0x2] =	stream.linear.gather [hbm4b:s6+s3], $0x2800, $0x200038;
	[tilespmem:$0x1D000] =	vst v63  }
0x17: {  	_ =	swait.ge [sflag:s12], $0x2800  }
0x18: {  	[sflag:s12] =	ssyncset.done $0x0  }
0x19: {  	[sflag:s12] =	ssyncadd.s32 $0xFFFFD800  }
0x1a: {  	[tilespmem:s13], [sflag:$0x2] =	stream.linear.gather [hbm4b:s7+s3], $0x2800, $0x200038;
	[tilespmem:$0x1D000] =	vst v63  }
0x1b: {  	_ =	swait.ge [sflag:s12], $0x2800  }
0x1c: {  	[sflag:s12] =	ssyncset.done $0x0  }
0x1d: {  	[sflag:s12] =	ssyncadd.s32 $0xFFFFD800  }
0x1e: {  	[bflag:$0x0] =	sbarrier.arrive $0xFFFF  }
0x1f: {  	_ =	strace $0x90000052  }
0x20: {  	s18 =	simm.s32 $0x0;
	_ =	strace $0x80000053  }
0x21: {  	[tilespmem:s15], [sflag:$0x1] =	stream.indirect.gather [hbm4b:s4+s14], $0x80, s18, s14, $0x2000b8;
	[tilespmem:$0x1D000] =	vst v63  }
0x22: {  	_ =	swait.ge [sflag:s16], $0x4000  }
0x23: {  	[sflag:s16] =	ssyncset.done $0x0  }
0x24: {  	s31 =	simm.s32 $0x2800;
	[sflag:s16] =	ssyncadd.s32 $0xFFFFC000  }
0x25: {  	[spmem:s2] =	stream.indirect.scatter.add.f32 [tilespmem:s15], [sflag:$0x2], $0x80, s31, s14, $0x2000b8;
	[tilespmem:$0x1D000] =	vst v63  }
0x26: {  	_ =	swait.ge [sflag:s12], $0x4000  }
0x27: {  	s19 =	simm.s32 $0x400;
	s18 =	simm.s32 $0x200;
	[sflag:s12] =	ssyncset.done $0x0  }
.LBB2_2:
0x28: {  	s20 =	sshra.s32 s18, $0x2  }
0x29: {  	[sflag:s12] =	ssyncadd.s32 $0xFFFFC000;
	s18 =	smov.u32 s19;
	s21 =	sadd.s32 $0x200, s19  }
0x2a: {  	[tilespmem:s15], [sflag:$0x1] =	stream.indirect.gather [hbm4b:s4+s14], $0x80, s20, s14, $0x2000b8;
	[tilespmem:$0x1D000] =	vst v63  }
0x2b: {  	p0 =	sne.s32 s19, $0x9E00;
	_ =	swait.ge [sflag:s16], $0x4000  }
.Ltmp0:
0x2c: {  	[sflag:s16] =	ssyncset.done $0x0;
	(pc) =	sbr.rel @p0 .LBB2_2-.Ltmp0, $4  }
0x2d: {  	s19 =	sadd.s32 $0x2800, s20;
	[sflag:s16] =	ssyncadd.s32 $0xFFFFC000  }
0x2e: {  	[spmem:s2] =	stream.indirect.scatter.add.f32 [tilespmem:s15], [sflag:$0x2], $0x80, s19, s14, $0x2000b8;
	[tilespmem:$0x1D000] =	vst v63  }
0x2f: {  	_ =	swait.ge [sflag:s12], $0x4000  }
0x30: {  	s19 =	smov.u32 s21;
	[sflag:s12] =	ssyncset.done $0x0  }
0x31: {  	s18 =	sshra.s32 s18, $0x2;
	[sflag:s12] =	ssyncadd.s32 $0xFFFFC000  }
0x32: {  	[tilespmem:s15], [sflag:$0x1] =	stream.indirect.gather [hbm4b:s4+s14], $0x80, s18, s14, $0x2000b8;
	[tilespmem:$0x1D000] =	vst v63  }
0x33: {  	_ =	swait.ge [sflag:s16], $0x4000  }
0x34: {  	[sflag:s16] =	ssyncset.done $0x0  }
0x35: {  	s18 =	sadd.s32 $0x2800, s18;
	[sflag:s16] =	ssyncadd.s32 $0xFFFFC000  }
0x36: {  	[spmem:s2] =	stream.indirect.scatter.add.f32 [tilespmem:s15], [sflag:$0x2], $0x80, s18, s14, $0x2000b8;
	[tilespmem:$0x1D000] =	vst v63  }
0x37: {  	_ =	swait.ge [sflag:s12], $0x4000  }
0x38: {  	[sflag:s12] =	ssyncset.done $0x0  }
0x39: {  	[sflag:s12] =	ssyncadd.s32 $0xFFFFC000  }
0x3a: {  	_ =	strace $0x90000053  }
0x3b: {  	_ =	strace $0x80000054  }
0x3c: {  	[bflag:$0x0] =	sbarrier.arrive $0xFFFF  }
0x3d: {  	s17 =	sadd.s32 $0x1, s17;
	_ =	strace $0x90000054  }
0x3e: {  	p0 =	sne.s32 s17, s9;
	_ =	strace $0x80000055  }
0x3f: {  	[hbm:s8], [sflag:s10] =	dma.local [spmem:s11], $0x2800  }
.Ltmp1:
0x40: {  	_ = 	snop;
	(pc) =	sbr.rel @p0 .LBB2_1-.Ltmp1, $4  }
0x41: {  	_ =	swait.ge [sflag:s12], $0x2800  }
0x42: {  	[sflag:s12] =	ssyncset.done $0x0  }
0x43: {  	[sflag:s12] =	ssyncadd.s32 $0xFFFFD800  }
0x44: {  	_ =	strace $0x90000055  }
0x45: {  	_ =	sfence.sel $0x180000  }
0x46: {  	[bflag:$0x0] =	sbarrier.arrive $0xFFFF  }
0x47: {  	p0 =	sne.s32 s1, $0x0;
	_ =	strace $0x90000051  }
0x48: {  	s0 =	sadd.s32 @!p0 $0x100000, s0;
	[bflag:$0x2] =	sbarrier.arrive $0xFFFF  }
0x49: {  	[sflag:s0] =	ssyncadd.tile.s32 @!p0 $0x1;
	_ =	shalt  }
.Lfunc_end2:
_tile_overlayer_lowered:
.L_overlay_start_2:
0x4a: {  	(tag) =	ssettag $0x2  }
0x4b: {  	s0 =	rddreg [dreg:$0x0];
	s2 =	stileid.u32  }
0x4c: {  	s1 =	rddreg [dreg:$0x1];
	p0 =	sne.s32 s2, $0x0  }
0x4d: {  	s3 =	rddreg [dreg:$0x2];
	[bflag:$0x3] =	sbarrier.arrive $0xFFFF;
	s2 =	simm.s32 @!p0 $0x1C02  }
0x4e: {  	[timem:s3], [sflag:s2] =	dma.local @!p0 [hbm:s0], s1  }
0x4f: {  	s0 =	simm.s32 @!p0 $0x2  }
0x50: {  	_ =	swait.ge @!p0 [sflag:s0], s1  }
0x51: {  	s1 =	ssub.s32 @!p0 $0x0, s1;
	[sflag:s0] =	ssyncset.done @!p0 $0x0  }
0x52: {  	[sflag:s0] =	ssyncadd.s32 @!p0 s1  }
0x53: {  	[bflag:$0x3] =	sbarrier.arrive $0xFFFF  }
0x54: {  	_ =	shalt  }

// kernel: sage_cnt.3.cloned.1.call-start
scs
__scs_entry_jumppad:
0x0: {  	(pc) =	sbr.rel $0x88, $3  }
0x1: {  	(tag) =	ssettag $0x0;
	lr =	simm.s32 $0x1  }
0x2: {  	[smem:$0x3F97] =	sst lr;
	_ =	strace $0xD0000000  }
0x3: {  	_ = 	snop  }
0x4: {  	_ = 	snop  }
0x5: {  	_ = 	snop  }
0x6: {  	_ = 	snop  }
0x7: {  	_ = 	snop  }
__scs_overlays_trampoline_lowered:
0x8: {  	[smem:$0x3FA6] =	sst s0  }
0x9: {  	[smem:$0x3FA7] =	sst s1  }
0xa: {  	[smem:$0x3FA8] =	sst s2  }
0xb: {  	[smem:$0x3FA9] =	sst s3  }
0xc: {  	[smem:$0x3FAA] =	sst s4  }
0xd: {  	[smem:$0x3FAB] =	sst s5  }
0xe: {  	[smem:$0x3FAC] =	sst s6  }
0xf: {  	[smem:$0x3FAD] =	sst s7  }
0x10: {  	[smem:$0x3FAE] =	sst s8  }
0x11: {  	[smem:$0x3FAF] =	sst s9;
	s0 =	simm.s32 @!p0 $0x0  }
0x12: {  	s1 =	sld [smem:$0x3F95];
	s0 =	simm.s32 @p0 $0x1  }
0x13: {  	[smem:$0x3FB0] =	sst s0;
	s0 =	simm.s32 @!p1 $0x0  }
0x14: {  	s2 =	sld [smem:$0x3F94];
	s0 =	simm.s32 @p1 $0x1  }
0x15: {  	[smem:$0x3FB1] =	sst s0;
	s0 =	simm.s32 @!p2 $0x0  }
0x16: {  	s3 =	sld [smem:$0x3FDB];
	s0 =	simm.s32 @p2 $0x1  }
0x17: {  	s4 =	simm.s32 $0x1BF5;
	[smem:$0x3FB3] =	sst s0  }
0x18: {  	s0 =	sld [smem:$0x3F96];
	_ =	swait.ge [sflag:s4], $0x0  }
0x19: {  	s7 =	sld [smem:$0x3F97]  }
0x1a: {  	s8 =	sadd.s32 $0xFFFFE003, lr  }
0x1b: {  	s9 =	sadd.s32 $0xFFFFFEF7, lr;
	s5 =	simm.s32 $0xFFFFFFFF;
	p2 =	slt.u32 s8, $0xFFFFF086  }
0x1c: {  	p1 =	slt.u32 s9, $0xF7A;
	s5 =	simm.s32 @!p2 $0x0  }
0x1d: {  	s5 =	simm.s32 @p1 $0x1;
	p0 =	seq.s32 s7, s2  }
0x1e: {  	s7 =	smul.u32 @!p0 $0xF7A, s2;
	p2 =	seq.s32 @!p0 s5, $0x0  }
0x1f: {  	s9 =	smul.u32 $0xF7A, s1;
	s8 =	simm.s32 @!p0 $0x1BF5;
	p2 =	por !p2, p0  }
0x20: {  	[sflag:s8] =	ssyncset.s32 @!p0 $0xFFFFF086;
	s6 =	sadd.s32 @!p0 s3, s7;
	s7 =	simm.s32 @!p0 $0x108  }
0x21: {  	s3 =	sadd.s32 s3, s9;
	s6 =	sadd.s32 @!p0 $0x88, s6;
	s7 =	simm.s32 @p2 $0x1082  }
0x22: {  	[simem:s7], [sflag:s8] =	dma.local @!p0 [hbm:s6], $0xF7A  }
0x23: {  	s9 =	sor.u32 $0xD0000000, s2;
	s6 =	simm.s32 $0x108;
	_ =	swait.ge @!p0 [sflag:s8], $0x0  }
0x24: {  	s3 =	sadd.s32 $0x88, s3;
	s6 =	simm.s32 @!p1 $0x1082;
	[sflag:s4] =	ssyncset.s32 $0xFFFFF086  }
0x25: {  	[simem:s6], [sflag:s4] =	dma.local [hbm:s3], $0xF7A  }
0x26: {  	[smem:$0x3F97] =	sst s1;
	(tag) =	ssettag s2;
	_ =	strace s9  }
0x27: {  	s1 =	sld [smem:$0x3FA7]  }
0x28: {  	s2 =	sld [smem:$0x3FA8]  }
0x29: {  	s4 =	sld [smem:$0x3FAA]  }
0x2a: {  	p0 =	seq.s32 s5, $0x0;
	s5 =	sld [smem:$0x3FAB]  }
0x2b: {  	s6 =	sld [smem:$0x3FAC]  }
0x2c: {  	s7 =	sld [smem:$0x3FAD]  }
0x2d: {  	s3 =	simm.s32 $0x108;
	s8 =	sld [smem:$0x3FAE]  }
0x2e: {  	s3 =	simm.s32 @!p0 $0x1082;
	s9 =	sld [smem:$0x3FAF]  }
0x2f: {  	lr =	sadd.s32 s0, s3;
	s0 =	sld [smem:$0x3FA6]  }
0x30: {  	s3 =	sld [smem:$0x3FA9]  }
0x31: {  	[smem:$0x3FB2] =	sst s10  }
0x32: {  	s10 =	sld [smem:$0x3FB0];
	_ =	sdelay $0x3  }
0x33: {  	p0 =	seq.s32 s10, $0x1;
	s10 =	sld [smem:$0x3FB2];
	_ =	sdelay $0x3  }
0x34: {  	[smem:$0x3FB2] =	sst s10  }
0x35: {  	s10 =	sld [smem:$0x3FB1];
	_ =	sdelay $0x3  }
0x36: {  	p1 =	seq.s32 s10, $0x1;
	s10 =	sld [smem:$0x3FB2];
	_ =	sdelay $0x3  }
0x37: {  	[smem:$0x3FB2] =	sst s10  }
0x38: {  	s10 =	sld [smem:$0x3FB3]  }
0x39: {  	_ = 	snop;
	(pc) =	sbr.ind lr, $3  }
0x3a: {  	_ = 	snop  }
0x3b: {  	_ = 	snop  }
0x3c: {  	p2 =	seq.s32 s10, $0x1;
	s10 =	sld [smem:$0x3FB2]  }
0x3d: {  	_ =	shalt  }
0x3e: {  	_ =	shalt  }
0x3f: {  	_ =	shalt  }
0x40: {  	_ =	shalt  }
0x41: {  	_ =	shalt  }
0x42: {  	_ =	shalt  }
0x43: {  	_ =	shalt  }
0x44: {  	_ =	shalt  }
0x45: {  	_ =	shalt  }
0x46: {  	_ =	shalt  }
0x47: {  	_ =	shalt  }
0x48: {  	_ =	shalt  }
0x49: {  	_ =	shalt  }
0x4a: {  	_ =	shalt  }
0x4b: {  	_ =	shalt  }
0x4c: {  	_ =	shalt  }
0x4d: {  	_ =	shalt  }
0x4e: {  	_ =	shalt  }
0x4f: {  	_ =	shalt  }
0x50: {  	_ =	shalt  }
0x51: {  	_ =	shalt  }
0x52: {  	_ =	shalt  }
0x53: {  	_ =	shalt  }
0x54: {  	_ =	shalt  }
0x55: {  	_ =	shalt  }
0x56: {  	_ =	shalt  }
0x57: {  	_ =	shalt  }
0x58: {  	_ =	shalt  }
0x59: {  	_ =	shalt  }
0x5a: {  	_ =	shalt  }
0x5b: {  	_ =	shalt  }
0x5c: {  	_ =	shalt  }
0x5d: {  	_ =	shalt  }
0x5e: {  	_ =	shalt  }
0x5f: {  	_ =	shalt  }
0x60: {  	_ =	shalt  }
0x61: {  	_ =	shalt  }
0x62: {  	_ =	shalt  }
0x63: {  	_ =	shalt  }
0x64: {  	_ =	shalt  }
0x65: {  	_ =	shalt  }
0x66: {  	_ =	shalt  }
0x67: {  	_ =	shalt  }
0x68: {  	_ =	shalt  }
0x69: {  	_ =	shalt  }
0x6a: {  	_ =	shalt  }
0x6b: {  	_ =	shalt  }
0x6c: {  	_ =	shalt  }
0x6d: {  	_ =	shalt  }
0x6e: {  	_ =	shalt  }
0x6f: {  	_ =	shalt  }
0x70: {  	_ =	shalt  }
0x71: {  	_ =	shalt  }
0x72: {  	_ =	shalt  }
0x73: {  	_ =	shalt  }
0x74: {  	_ =	shalt  }
0x75: {  	_ =	shalt  }
0x76: {  	_ =	shalt  }
0x77: {  	_ =	shalt  }
0x78: {  	_ =	shalt  }
0x79: {  	_ =	shalt  }
0x7a: {  	_ =	shalt  }
0x7b: {  	_ =	shalt  }
0x7c: {  	_ =	shalt  }
0x7d: {  	_ =	shalt  }
0x7e: {  	_ =	shalt  }
0x7f: {  	_ =	shalt  }
0x80: {  	_ =	shalt  }
0x81: {  	_ =	shalt  }
0x82: {  	_ =	shalt  }
0x83: {  	_ =	shalt  }
0x84: {  	_ =	shalt  }
0x85: {  	_ =	shalt  }
0x86: {  	_ =	shalt  }
0x87: {  	_ =	shalt  }
.Lfunc_end0:
.L_simem_size_0:
called_computation.1_lowered:
.L_overlay_start_0:
0x88: {  	s2 =	sld [smem:$0x3FD9]  }
0x89: {  	s3 =	sld [smem:$0x3FFE];
	_ =	sdelay $0x1  }
0x8a: {  	s1 =	srdreg.scid  }
0x8b: {  	s0 =	sand.u32 $0x1, s1  }
0x8c: {  	s17 =	sshll.u32 s0, $0xA;
	s2 =	sadd.s32 s3, s2  }
0x8d: {  	s2 =	sadd.s32 s2, s17  }
0x8e: {  	[smem:$0x3FBE] =	sst s2  }
0x8f: {  	_ = 	snop  }
0x90: {  	s18 =	sld [smem:$0x3FD0];
	(tm) =	ssettm $0x1  }
0x91: {  	s19 =	sld [smem:$0x3FFB];
	_ =	sdelay $0x3  }
0x92: {  	_ =	strace s19  }
0x93: {  	s2 =	sld [smem:$0x3FFC];
	_ =	sdelay $0x3  }
0x94: {  	_ =	strace s2  }
0x95: {  	s2 =	sld [smem:$0x3FFD];
	_ =	sdelay $0x3  }
0x96: {  	_ =	strace s2  }
0x97: {  	_ =	strace $0x8FFFFFFF  }
0x98: {  	s20 =	sld [smem:$0x3FDB];
	_ =	sdelay $0x1  }
0x99: {  	s4 =	simm.s32 $_scs_section_size  }
0x9a: {  	s5 =	simm.s32 $_size__tile_overlayer_lowered;
	s6 =	simm.s32 $_tile_overlayer_lowered  }
0x9b: {  	s7 =	simm.s32 $0x1BFF;
	s21 =	sshll.u32 s6, $0x1;
	s4 =	sadd.s32 s4, s20  }
0x9c: {  	s22 =	simm.s32 $0x0;
	s5 =	sshll.u32 s5, $0x1;
	s6 =	sadd.s32 s21, s4  }
0x9d: {  	[timem:s22], [sflag:s7] =	dma.local [hbm:s6], s5  }
0x9e: {  	_ =	swait.ge [sflag:s7], s5  }
0x9f: {  	s5 =	ssub.s32 $0x0, s5;
	[sflag:s7] =	ssyncset.done $0x0  }
0xa0: {  	[sflag:s7] =	ssyncadd.s32 s5;
	_ =	sdelay $0x1  }
0xa1: {  	s23 =	simm.s32 $0x1B8B  }
0xa2: {  	_ =	swait.ge [sflag:s23], $0x1  }
0xa3: {  	[sflag:s23] =	ssyncset.done $0x0  }
0xa4: {  	[sflag:s23] =	ssyncadd.s32 $0xFFFFFFFF  }
0xa5: {  	s5 =	sld [smem:$0x0]  }
0xa6: {  	s6 =	sand.u32 $0xFFFFFFFE, s1  }
0xa7: {  	p0 =	sne.s32 s1, s6  }
0xa8: {  	s6 =	sshll.u32 @p0 s6, $0xE  }
0xa9: {  	s6 =	sadd.s32 @p0 $0x11B8D, s6;
	s7 =	sshll.u32 @p0 s5, $0x11  }
0xaa: {  	s6 =	sor.u32 @p0 s7, s6  }
0xab: {  	[sflag:s6] =	ssyncadd.remote.s32 @p0 $0x1;
	_ =	sdelay $0x1  }
0xac: {  	s6 =	simm.s32 @p0 $0x1B8D  }
0xad: {  	_ =	swait.eq @p0 [sflag:s6], $0x1  }
0xae: {  	[sflag:s6] =	ssyncadd.s32 @p0 $0xFFFFFFFF  }
0xaf: {  	s7 =	sshll.u32 @!p0 s1, $0xE  }
0xb0: {  	s7 =	sor.u32 @!p0 $0x4000, s7;
	s6 =	simm.s32 @!p0 $0x1B8D  }
0xb1: {  	s5 =	sshll.u32 @!p0 s5, $0x11;
	s7 =	sadd.s32 @!p0 $0x11B8D, s7;
	_ =	swait.eq @!p0 [sflag:s6], $0x1  }
0xb2: {  	s5 =	sor.u32 @!p0 s5, s7;
	[sflag:s6] =	ssyncadd.s32 @!p0 $0xFFFFFFFF  }
0xb3: {  	s25 =	simm.s32 $0x1B8E;
	s24 =	sld [smem:$0x3FFE];
	[sflag:s5] =	ssyncadd.remote.s32 @!p0 $0x1  }
0xb4: {  	s26 =	simm.s32 $execute0_lowered;
	[smem:$0x3FD2] =	sst s25  }
0xb5: {  	s6 =	sshll.u32 s26, $0x1;
	_ =	strace $0x8000004D;
	[dreg:$0x1] =	wrdreg $0xFFFFFFFF  }
0xb6: {  	s28 =	simm.s32 $_size_execute0_lowered;
	s4 =	sadd.s32 s4, s6;
	[dreg:$0x0] =	wrdreg $0x0  }
0xb7: {  	s6 =	sshll.u32 s28, $0x1;
	[dreg:$0x2] =	wrdreg s4  }
0xb8: {  	[dreg:$0x3] =	wrdreg s6  }
0xb9: {  	[dreg:$0x4] =	wrdreg $0xC0  }
0xba: {  	_ =	task [dreg:s22], $0x5FFFF  }
0xbb: {  	[dreg:$0x1] =	wrdreg $0xFFFFFFFF  }
0xbc: {  	[dreg:$0x0] =	wrdreg $0x60  }
0xbd: {  	[dreg:$0x2] =	wrdreg s18  }
0xbe: {  	[dreg:$0x3] =	wrdreg s24  }
0xbf: {  	[dreg:$0x4] =	wrdreg $0x68000  }
0xc0: {  	[dreg:$0x5] =	wrdreg $0xA  }
0xc1: {  	_ =	task.clear_ibuf [dreg:s22], $0x6FFFF;
	_ =	strace $0x9000004D  }
0xc2: {  	s29 =	simm.s32 $0xA;
	_ =	strace $0x8000004F  }
0xc3: {  	_ =	swait.ge [sflag:s29], $0x1  }
0xc4: {  	[sflag:s29] =	ssyncadd.s32 $0xFFFFFFFF  }
0xc5: {  	_ =	strace $0x9000004F  }
0xc6: {  	_ =	sfence  }
0xc7: {  	s30 =	sld [smem:$0x0];
	_ =	sdelay $0x2  }
0xc8: {  	s31 =	sshll.u32 s1, $0xD;
	s1 =	sshrl.u32 s1, $0x2  }
0xc9: {  	s4 =	sand.u32 $0x4000, s31;
	s1 =	sadd.s32 s1, s30  }
0xca: {  	s0 =	sor.u32 s4, s0;
	s1 =	sshll.u32 s1, $0x11  }
0xcb: {  	s0 =	sor.u32 s1, s0  }
0xcc: {  	s0 =	sadd.s32 $0x8F2B, s0  }
0xcd: {  	[sflag:s0] =	ssyncadd.remote.s32 $0x1  }
0xce: {  	_ =	sfence.sel $0xFFFF  }
0xcf: {  	[dreg:$0x0] =	wrdreg $0xFFFFFFFF;
	(pc) =	sbr.abs _section_cstart, $3  }
0xd0: {  	[dreg:$0x1] =	wrdreg $0xFFFFFFFF  }
0xd1: {  	_ =	task.clear_ibuf [dreg:s22], $0x2FFFF;
	_ =	strace $0x9FFFFFFF  }
0xd2: {  	(tm) =	ssettm $0x7FFFFFFF  }
0xd3: {  	_ =	shalt  }
tec
execute0_lowered:
.L_overlay_start_1:
0x0: {  	(tag) =	ssettag $0x1  }
0x1: {  	s7 =	rddreg [dreg:$0x0]  }
0x2: {  	s6 =	rddreg [dreg:$0x1]  }
0x3: {  	s1 =	rddreg [dreg:$0x2]  }
0x4: {  	s2 =	srdreg.scid;
	s0 =	rddreg [dreg:$0x3];
	s3 =	simm.s32 $0x0  }
0x5: {  	s12 =	simm.s32 $0x2800;
	s13 =	simm.s32 $0x80;
	s8 =	sand.u32 $0x1, s2  }
0x6: {  	s14 =	simm.s32 $0x0;
	s2 =	stileid.u32;
	s9 =	smul.u32 $0x140000, s8  }
0x7: {  	[smem:$0x7FF] =	sst s3;
	s4 =	sadd.s32 $0x34800, s6;
	s10 =	smul.u32 $0x14000, s2  }
0x8: {  	s5 =	sadd.s32 $0x87000, s6;
	_ =	strace $0x8000004E;
	s26 =	smul.u32 $0x50000, s2  }
0x9: {  	s11 =	sshll.u32 s8, $0x4;
	s28 =	ssub.s32 $0x2, s8;
	s31 =	sshll.u32 s2, $0x6  }
0xa: {  	s29 =	sor.u32 s2, s11;
	s30 =	sshrl.u32 s28, $0x1;
	s9 =	sadd.s32 s10, s9  }
0xb: {  	s10 =	sshrl.u32 s26, $0x2;
	s8 =	smul.u32 $0x500, s29;
	s9 =	sshrl.u32 s9, $0x3  }
0xc: {  	s11 =	ssub.s32 s28, s30;
	s10 =	sadd.s32 s10, s1;
	s9 =	sadd.s32 s9, s6  }
0xd: {  	s6 =	sor.u32 $0x1C01, s31;
	s7 =	sadd.s32 s7, s8;
	s10 =	sshrl.u32 s10, $0x3  }
0xe: {  	s8 =	sadd.s32 $0x87800, s9;
	s9 =	smax.u32 s11, $0x1;
	s11 =	simm.s32 $0x1  }
.LBB2_1:
0xf: {  	[spmem:s10], [sflag:s6] =	dma.local [hbm:s4], $0x2800  }
0x10: {  	_ =	swait.ge [sflag:s11], $0x2800  }
0x11: {  	[sflag:s11] =	ssyncset.done $0x0  }
0x12: {  	[sflag:s11] =	ssyncadd.s32 $0xFFFFD800  }
0x13: {  	[tilespmem:s12], [sflag:$0x1] =	stream.linear.gather [hbm4b:s5+s3], $0x4000, $0x38;
	[tilespmem:$0x1A800] =	vst v63  }
0x14: {  	_ =	swait.ge [sflag:s11], $0x4000  }
0x15: {  	[sflag:s11] =	ssyncset.done $0x0  }
0x16: {  	[sflag:s11] =	ssyncadd.s32 $0xFFFFC000  }
0x17: {  	[tilespmem:s3], [sflag:$0x1] =	stream.linear.gather [hbm4b:s7+s3], $0x2800, $0x38;
	[tilespmem:$0x1A800] =	vst v63  }
0x18: {  	_ =	swait.ge [sflag:s11], $0x2800  }
0x19: {  	[sflag:s11] =	ssyncset.done $0x0  }
0x1a: {  	[sflag:s11] =	ssyncadd.s32 $0xFFFFD800  }
0x1b: {  	s15 =	simm.s32 $0x0;
	[bflag:$0x0] =	sbarrier.arrive $0xFFFF  }
0x1c: {  	[spmem:s1] =	stream.indirect.scatter.add.f32 [tilespmem:s12], [sflag:$0x1], $0x80, s15, s13, $0xb8;
	[tilespmem:$0x1A800] =	vst v63  }
0x1d: {  	_ =	swait.ge [sflag:s11], $0x4000  }
0x1e: {  	s15 =	simm.s32 $0x200;
	[sflag:s11] =	ssyncset.done $0x0  }
.LBB2_2:
0x1f: {  	s16 =	sshra.s32 s15, $0x2;
	[sflag:s11] =	ssyncadd.s32 $0xFFFFC000;
	p0 =	sne.s32 s15, $0x9E00  }
0x20: {  	[spmem:s1] =	stream.indirect.scatter.add.f32 [tilespmem:s12], [sflag:$0x1], $0x80, s16, s13, $0xb8;
	[tilespmem:$0x1A800] =	vst v63  }
.Ltmp0:
0x21: {  	_ = 	snop;
	(pc) =	sbr.rel @p0 .LBB2_2-.Ltmp0, $4  }
0x22: {  	_ = 	snop  }
0x23: {  	s15 =	sadd.s32 $0x200, s15  }
0x24: {  	_ =	swait.ge [sflag:s11], $0x4000  }
0x25: {  	[sflag:s11] =	ssyncset.done $0x0  }
0x26: {  	s14 =	sadd.s32 $0x1, s14  }
0x27: {  	[sflag:s11] =	ssyncadd.s32 $0xFFFFC000;
	p0 =	sne.s32 s14, s9  }
.Ltmp1:
0x28: {  	[bflag:$0x0] =	sbarrier.arrive $0xFFFF;
	(pc) =	sbr.rel @p0 .LBB2_1-.Ltmp1, $4  }
0x29: {  	[hbm:s8], [sflag:s6] =	dma.local [spmem:s10], $0x2800  }
0x2a: {  	_ =	swait.ge [sflag:s11], $0x2800  }
0x2b: {  	[sflag:s11] =	ssyncset.done $0x0  }
0x2c: {  	[sflag:s11] =	ssyncadd.s32 $0xFFFFD800  }
0x2d: {  	_ =	sfence.sel $0x180000  }
0x2e: {  	[bflag:$0x0] =	sbarrier.arrive $0xFFFF  }
0x2f: {  	p0 =	sne.s32 s2, $0x0;
	_ =	strace $0x9000004E  }
0x30: {  	s0 =	sadd.s32 @!p0 $0x100000, s0;
	[bflag:$0x2] =	sbarrier.arrive $0xFFFF  }
0x31: {  	[sflag:s0] =	ssyncadd.tile.s32 @!p0 $0x1;
	_ =	shalt  }
.Lfunc_end2:
_tile_overlayer_lowered:
.L_overlay_start_2:
0x32: {  	(tag) =	ssettag $0x2  }
0x33: {  	s0 =	rddreg [dreg:$0x0];
	s2 =	stileid.u32  }
0x34: {  	s1 =	rddreg [dreg:$0x1];
	p0 =	sne.s32 s2, $0x0  }
0x35: {  	s3 =	rddreg [dreg:$0x2];
	[bflag:$0x3] =	sbarrier.arrive $0xFFFF;
	s2 =	simm.s32 @!p0 $0x1C01  }
0x36: {  	[timem:s3], [sflag:s2] =	dma.local @!p0 [hbm:s0], s1  }
0x37: {  	s0 =	simm.s32 @!p0 $0x1  }
0x38: {  	_ =	swait.ge @!p0 [sflag:s0], s1  }
0x39: {  	s1 =	ssub.s32 @!p0 $0x0, s1;
	[sflag:s0] =	ssyncset.done @!p0 $0x0  }
0x3a: {  	[sflag:s0] =	ssyncadd.s32 @!p0 s1  }
0x3b: {  	[bflag:$0x3] =	sbarrier.arrive $0xFFFF  }
0x3c: {  	_ =	shalt  }

</sc_bundles>
